<compile_context>
chip_gen: v7x
topology: tpu7x:2x2x1
jax: 0.10.2.dev20260603
libtpu: 0.0.44.dev20260713+nightly
codegen_flags: <defaults>
</compile_context>

<pallas_src>
import jax
import jax.numpy as jnp
from jax import lax
from jax.experimental import pallas as pl
from jax.experimental.pallas import tpu as pltpu
from jax.experimental.pallas import tpu_sc as plsc

N = 10000
E = 160000
IN_D = 256
HID_D = 256
OUT_D = 128

N_PAD = 10240
CHUNK = 120
KBUF = 3
E_PAD = 161280
ROWS_PER_TILE = N_PAD // 16
D = 128
RB = 1024
GR = N_PAD // RB

_f32 = jnp.float32
_i32 = jnp.int32



def _mm2_body(x_ref, wl_ref, wr_ref, y_ref, z_ref):
    xb = x_ref[...]
    y_ref[...] = jnp.dot(xb, wl_ref[...], preferred_element_type=_f32)
    z_ref[...] = jnp.dot(xb, wr_ref[...], preferred_element_type=_f32)


def _mm2(xp, Wl, Wr):
    nh = Wl.shape[1] // D
    return pl.pallas_call(
        _mm2_body,
        grid=(GR, nh),
        in_specs=[
            pl.BlockSpec((RB, xp.shape[1]), lambda r, h: (r, 0)),
            pl.BlockSpec((Wl.shape[0], D), lambda r, h: (0, h)),
            pl.BlockSpec((Wr.shape[0], D), lambda r, h: (0, h)),
        ],
        out_specs=[
            pl.BlockSpec((RB, D), lambda r, h: (r + h * GR, 0)),
            pl.BlockSpec((RB, D), lambda r, h: (r, h)),
        ],
        out_shape=[
            jax.ShapeDtypeStruct((nh * N_PAD, D), _f32),
            jax.ShapeDtypeStruct((N_PAD, Wr.shape[1]), _f32),
        ],
    )(xp, Wl, Wr)


def _fuse1_body(agga_ref, aggb_ref, dega_ref, degb_ref, z1_ref, w2l_ref,
                w2r_ref, b1_ref, y2_ref, z2_ref):
    degc = jnp.clip(dega_ref[:, 0:1] + degb_ref[:, 0:1], 1.0, None)
    h = jnp.concatenate([agga_ref[...] / degc, aggb_ref[...] / degc], axis=1)
    h = jnp.maximum(h + z1_ref[...] + b1_ref[...], 0.0)
    y2_ref[...] = jnp.dot(h, w2l_ref[...], preferred_element_type=_f32)
    z2_ref[...] = jnp.dot(h, w2r_ref[...], preferred_element_type=_f32)


def _fuse1(agg_stk, deg_stk, z1, W2l, W2r, b1):
    return pl.pallas_call(
        _fuse1_body,
        grid=(GR,),
        in_specs=[
            pl.BlockSpec((RB, D), lambda r: (r, 0)),
            pl.BlockSpec((RB, D), lambda r: (r + GR, 0)),
            pl.BlockSpec((RB, D), lambda r: (r, 0)),
            pl.BlockSpec((RB, D), lambda r: (r + GR, 0)),
            pl.BlockSpec((RB, HID_D), lambda r: (r, 0)),
            pl.BlockSpec((HID_D, OUT_D), lambda r: (0, 0)),
            pl.BlockSpec((HID_D, OUT_D), lambda r: (0, 0)),
            pl.BlockSpec((1, HID_D), lambda r: (0, 0)),
        ],
        out_specs=[
            pl.BlockSpec((RB, OUT_D), lambda r: (r, 0)),
            pl.BlockSpec((RB, OUT_D), lambda r: (r, 0)),
        ],
        out_shape=[
            jax.ShapeDtypeStruct((N_PAD, OUT_D), _f32),
            jax.ShapeDtypeStruct((N_PAD, OUT_D), _f32),
        ],
    )(agg_stk, agg_stk, deg_stk, deg_stk, z1, W2l, W2r, b1)


def _fuse2_body(a2a_ref, a2b_ref, dega_ref, degb_ref, z2_ref, b2_ref, out_ref):
    degc = jnp.clip(dega_ref[:, 0:1] + degb_ref[:, 0:1], 1.0, None)
    o = (a2a_ref[...] + a2b_ref[...]) / degc
    out_ref[...] = o + z2_ref[...] + b2_ref[...]


def _fuse2(agg2_stk, deg_stk, z2, b2):
    return pl.pallas_call(
        _fuse2_body,
        grid=(GR,),
        in_specs=[
            pl.BlockSpec((RB, OUT_D), lambda r: (r, 0)),
            pl.BlockSpec((RB, OUT_D), lambda r: (r + GR, 0)),
            pl.BlockSpec((RB, D), lambda r: (r, 0)),
            pl.BlockSpec((RB, D), lambda r: (r + GR, 0)),
            pl.BlockSpec((RB, OUT_D), lambda r: (r, 0)),
            pl.BlockSpec((1, OUT_D), lambda r: (0, 0)),
        ],
        out_specs=pl.BlockSpec((RB, OUT_D), lambda r: (r, 0)),
        out_shape=jax.ShapeDtypeStruct((N, OUT_D), _f32),
    )(agg2_stk, agg2_stk, deg_stk, deg_stk, z2, b2)



_MESH = plsc.VectorSubcoreMesh(core_axis_name="c", subcore_axis_name="s")


def _zero_acc(acc, zeros_hbm, rbase):
    pltpu.sync_copy(zeros_hbm.at[pl.ds(rbase, ROWS_PER_TILE)],
                    acc.at[pl.ds(rbase, ROWS_PER_TILE)])


def _drain_acc(acc, out_hbm, rbase, cid):
    pltpu.sync_copy(acc.at[pl.ds(rbase, ROWS_PER_TILE)],
                    out_hbm.at[pl.ds(cid * N_PAD + rbase, ROWS_PER_TILE)])


KBUF_DEG = 3


def _make_sc_seg_sum(edges_per_core, with_deg=False):
    iters = edges_per_core // 16 // CHUNK
    deg_iters = (E_PAD // 32) // CHUNK
    agg_t = jax.ShapeDtypeStruct((2 * N_PAD, D), _f32)
    out_type = [agg_t, agg_t] if with_deg else agg_t
    scratch = [
        pltpu.VMEM_SHARED((N_PAD, D), _f32),
        [pltpu.VMEM((CHUNK,), _i32) for _ in range(KBUF)],
        [pltpu.VMEM((CHUNK,), _i32) for _ in range(KBUF)],
        [pltpu.VMEM((CHUNK, D), _f32) for _ in range(KBUF)],
        [pltpu.SemaphoreType.DMA for _ in range(KBUF)],
        [pltpu.SemaphoreType.DMA for _ in range(KBUF)],
        [pltpu.SemaphoreType.DMA for _ in range(KBUF)],
        [pltpu.SemaphoreType.DMA for _ in range(KBUF)],
    ]

    def body(table, src_hbm, dst_hbm, zeros_hbm, *rest):
        if with_deg:
            out_hbm, deg_hbm, acc, srcb, dstb, gbufs, isems_s, isems_d, \
                gsems, ssems = rest
        else:
            out_hbm, acc, srcb, dstb, gbufs, isems_s, isems_d, gsems, \
                ssems = rest
        cid = lax.axis_index("c")
        tid = lax.axis_index("s")
        rbase = tid * ROWS_PER_TILE
        ebase = cid * edges_per_core + tid * (edges_per_core // 16)

        _zero_acc(acc, zeros_hbm, rbase)
        plsc.subcore_barrier()

        def block(p, carry):
            offs = [ebase + (p * KBUF + b) * CHUNK for b in range(KBUF)]
            dis = [pltpu.async_copy(src_hbm.at[pl.ds(offs[b], CHUNK)],
                                    srcb[b], isems_s[b]) for b in range(KBUF)]
            did = [pltpu.async_copy(dst_hbm.at[pl.ds(offs[b], CHUNK)],
                                    dstb[b], isems_d[b]) for b in range(KBUF)]
            dg = []
            for b in range(KBUF):
                dis[b].wait()
                dg.append(pltpu.async_copy(table.at[srcb[b]], gbufs[b],
                                           gsems[b]))
            ds = []
            for b in range(KBUF):
                dg[b].wait()
                did[b].wait()
                ds.append(pltpu.async_copy(gbufs[b], acc.at[dstb[b]],
                                           ssems[b], add=True))
            for b in range(KBUF):
                ds[b].wait()
            return carry
        lax.fori_loop(0, iters // KBUF, block, 0)

        plsc.subcore_barrier()
        _drain_acc(acc, out_hbm, rbase, cid)

        if with_deg:
            _zero_acc(acc, zeros_hbm, rbase)
            onesb = gbufs[0]
            one16 = jnp.full((16,), 1.0, _f32)

            def fill_ones(i, carry):
                for j in range(D // 16):
                    onesb[i, pl.ds(j * 16, 16)] = one16
                return carry
            lax.fori_loop(0, CHUNK, fill_ones, 0)
            plsc.subcore_barrier()

            debase = cid * (E_PAD // 2) + tid * (E_PAD // 32)

            def dblock(p, carry):
                offs = [debase + (p * KBUF + b) * CHUNK for b in range(KBUF)]
                did = [pltpu.async_copy(dst_hbm.at[pl.ds(offs[b], CHUNK)],
                                        dstb[b], isems_d[b])
                       for b in range(KBUF)]
                ds = []
                for b in range(KBUF):
                    did[b].wait()
                    ds.append(pltpu.async_copy(onesb, acc.at[dstb[b]],
                                               ssems[b], add=True))
                for b in range(KBUF):
                    ds[b].wait()
                return carry
            lax.fori_loop(0, deg_iters // KBUF, dblock, 0)

            plsc.subcore_barrier()
            _drain_acc(acc, deg_hbm, rbase, cid)

    return pl.kernel(body, out_type=out_type, mesh=_MESH,
                     scratch_types=scratch)


_sc_seg_sum_l1 = _make_sc_seg_sum(edges_per_core=E_PAD, with_deg=True)
_sc_seg_sum_l2 = _make_sc_seg_sum(edges_per_core=E_PAD // 2)



def kernel(x, edge_index, W1l, b1, W1r, W2l, b2, W2r):
    pad_e = E_PAD - E
    src = edge_index[0].astype(_i32)
    dst = edge_index[1].astype(_i32)
    ar = jnp.arange(pad_e, dtype=_i32)
    src_p = jnp.concatenate([src, ar % N])
    dst_p = jnp.concatenate([dst, N + ar % (N_PAD - N)])
    src2 = jnp.concatenate([src_p, src_p + N_PAD])
    dst2 = jnp.concatenate([dst_p, dst_p])

    b1r = b1.reshape(1, HID_D)
    b2r = b2.reshape(1, OUT_D)

    zeros = jnp.zeros((N_PAD, D), _f32)
    y1_stk, z1 = _mm2(x, W1l, W1r)
    agg1_stk, deg_stk = _sc_seg_sum_l1(y1_stk, src2, dst2, zeros)
    y2, z2 = _fuse1(agg1_stk, deg_stk, z1, W2l, W2r, b1r)
    agg2_stk = _sc_seg_sum_l2(y2, src_p, dst_p, zeros)
    return _fuse2(agg2_stk, deg_stk, z2, b2r)

# --- scband reference (transcript-rebuilt; emitter-appended) ---
"""Pipeline reference for scband-patient-gnn-8117488189820 (READ-ONLY COPY).

The authoritative reference and input builder live on the scoring server;
editing this copy changes nothing except your own understanding.
"""

import jax, jax.numpy as jnp
import numpy as np

N_NODES = 10000
N_EDGES = 160000
IN_DIM = 256
HID_DIM = 256
OUT_DIM = 128


def setup_inputs(seed: int = 0) -> dict:
    key = jax.random.key(seed)
    ks = jax.random.split(key, 9)
    x = jax.random.normal(ks[0], (N_NODES, IN_DIM), dtype=jnp.float32)
    edge_index = jax.random.randint(ks[1], (2, N_EDGES), 0, N_NODES)
    # SAGEConv params: lin_l (neighbor aggregation, with bias), lin_r (root, no bias)
    W1l = jax.random.normal(ks[2], (IN_DIM, HID_DIM), dtype=jnp.float32) * 0.05
    b1 = jnp.zeros((HID_DIM,), dtype=jnp.float32)
    W1r = jax.random.normal(ks[3], (IN_DIM, HID_DIM), dtype=jnp.float32) * 0.05
    W2l = jax.random.normal(ks[4], (HID_DIM, OUT_DIM), dtype=jnp.float32) * 0.05
    b2 = jnp.zeros((OUT_DIM,), dtype=jnp.float32)
    W2r = jax.random.normal(ks[5], (HID_DIM, OUT_DIM), dtype=jnp.float32) * 0.05
    return {"x": x, "edge_index": edge_index, "W1l": W1l, "b1": b1, "W1r": W1r,
            "W2l": W2l, "b2": b2, "W2r": W2r}


def _sage_conv(x, edge_index, Wl, bl, Wr):
    # PyG-style SAGEConv with mean aggregation:
    # out = lin_l(mean_{j in N(i)} x_j) + lin_r(x_i)
    src = edge_index[0]
    dst = edge_index[1]
    msgs = jnp.take(x, src, axis=0)                       # gather source features
    agg = jax.ops.segment_sum(msgs, dst, num_segments=x.shape[0])  # scatter-add by dst
    deg = jax.ops.segment_sum(jnp.ones((edge_index.shape[1],), dtype=x.dtype), dst,
                              num_segments=x.shape[0])
    mean = agg / jnp.clip(deg, 1.0, None)[:, None]
    return mean @ Wl + bl + x @ Wr


def reference(x, edge_index, W1l, b1, W1r, W2l, b2, W2r):
    h = _sage_conv(x, edge_index, W1l, b1, W1r)
    h = jax.nn.relu(h)
    out = _sage_conv(h, edge_index, W2l, b2, W2r)
    return out

if __name__ == "__main__":
    import jax
    _d = setup_inputs()
    print(jax.jit(kernel)(*tuple(_d.values())))

</pallas_src>

<mosaic_0001>
#map = affine_map<(d0, d1) -> (0, 0)>
#map1 = affine_map<(d0, d1) -> (0)>
module attributes {stable_mosaic.version = 14 : i64} {
  func.func @body(%arg0: i32, %arg1: i32, %arg2: memref<10240x128xf32, #tpu.memory_space<hbm>>, %arg3: memref<161280xi32, #tpu.memory_space<hbm>>, %arg4: memref<161280xi32, #tpu.memory_space<hbm>>, %arg5: memref<10240x128xf32, #tpu.memory_space<hbm>>, %arg6: memref<20480x128xf32, #tpu.memory_space<hbm>>, %arg7: memref<10240x128xf32, #tpu.memory_space<vmem_shared>>, %arg8: memref<120xi32, #tpu.memory_space<vmem>>, %arg9: memref<120xi32, #tpu.memory_space<vmem>>, %arg10: memref<120xi32, #tpu.memory_space<vmem>>, %arg11: memref<120xi32, #tpu.memory_space<vmem>>, %arg12: memref<120xi32, #tpu.memory_space<vmem>>, %arg13: memref<120xi32, #tpu.memory_space<vmem>>, %arg14: memref<120x128xf32, #tpu.memory_space<vmem>>, %arg15: memref<120x128xf32, #tpu.memory_space<vmem>>, %arg16: memref<120x128xf32, #tpu.memory_space<vmem>>, %arg17: memref<!tpu.dma_semaphore, #tpu.memory_space<semaphore_mem>>, %arg18: memref<!tpu.dma_semaphore, #tpu.memory_space<semaphore_mem>>, %arg19: memref<!tpu.dma_semaphore, #tpu.memory_space<semaphore_mem>>, %arg20: memref<!tpu.dma_semaphore, #tpu.memory_space<semaphore_mem>>, %arg21: memref<!tpu.dma_semaphore, #tpu.memory_space<semaphore_mem>>, %arg22: memref<!tpu.dma_semaphore, #tpu.memory_space<semaphore_mem>>, %arg23: memref<!tpu.dma_semaphore, #tpu.memory_space<semaphore_mem>>, %arg24: memref<!tpu.dma_semaphore, #tpu.memory_space<semaphore_mem>>, %arg25: memref<!tpu.dma_semaphore, #tpu.memory_space<semaphore_mem>>, %arg26: memref<!tpu.dma_semaphore, #tpu.memory_space<semaphore_mem>>, %arg27: memref<!tpu.dma_semaphore, #tpu.memory_space<semaphore_mem>>, %arg28: memref<!tpu.dma_semaphore, #tpu.memory_space<semaphore_mem>>) attributes {dimension_semantics = [#tpu.dimension_semantics<core_parallel>, #tpu.dimension_semantics<subcore_parallel>], iteration_bounds = array<i64: 2, 16>, scalar_prefetch = 0 : i64, scratch_operands = 22 : i64, tpu.core_type = #tpu.core_type<sc_vector_subcore>, window_params = [{transform_indices = #map}, {transform_indices = #map1}, {transform_indices = #map1}, {transform_indices = #map}, {transform_indices = #map}]} {
    %mul3A = arith.constant 640 : i32
    %mul3A_0 = arith.muli %arg1, %mul3A : i32
    %mul3A_1 = arith.constant 80640 : i32
    %mul3A_2 = arith.muli %arg0, %mul3A_1 : i32
    %mul3A_3 = arith.constant 5040 : i32
    %mul3A_4 = arith.muli %arg1, %mul3A_3 : i32
    %add3A = arith.addi %mul3A_2, %mul3A_4 : i32
    "tpu.region"() ({
      %run_scoped3A = tpu.sem_alloc : memref<!tpu.dma_semaphore, #tpu.memory_space<semaphore_mem>>
      %dma_start3A = arith.constant 0 : i32
      %dma_start3A_14 = tpu.memref_slice %arg7[%mul3A_0, %dma_start3A] : memref<10240x128xf32, #tpu.memory_space<vmem_shared>> -> memref<640x128xf32, #tpu.memory_space<vmem_shared>>
      %dma_start3A_15 = arith.constant 0 : i32
      %dma_start3A_16 = tpu.memref_slice %arg5[%mul3A_0, %dma_start3A_15] : memref<10240x128xf32, #tpu.memory_space<hbm>> -> memref<640x128xf32, #tpu.memory_space<hbm>>
      tpu.enqueue_dma source(%dma_start3A_16 : memref<640x128xf32, #tpu.memory_space<hbm>>) target(%dma_start3A_14 : memref<640x128xf32, #tpu.memory_space<vmem_shared>>) target_semaphore(%run_scoped3A : memref<!tpu.dma_semaphore, #tpu.memory_space<semaphore_mem>>)
      %dma_wait3A = arith.constant 0 : i32
      %dma_wait3A_17 = tpu.memref_slice %arg7[%mul3A_0, %dma_wait3A] : memref<10240x128xf32, #tpu.memory_space<vmem_shared>> -> memref<640x128xf32, #tpu.memory_space<vmem_shared>>
      %dma_wait3A_18 = arith.constant 0 : i32
      %dma_wait3A_19 = tpu.memref_slice %arg5[%mul3A_0, %dma_wait3A_18] : memref<10240x128xf32, #tpu.memory_space<hbm>> -> memref<640x128xf32, #tpu.memory_space<hbm>>
      tpu.wait_dma2 semaphore(%run_scoped3A : memref<!tpu.dma_semaphore, #tpu.memory_space<semaphore_mem>>) src(%dma_wait3A_19 : memref<640x128xf32, #tpu.memory_space<hbm>>) dst(%dma_wait3A_17 : memref<640x128xf32, #tpu.memory_space<vmem_shared>>)
      tpu.yield
    }) : () -> ()
    %barrier3A = arith.constant 0 : index
    tpu.barrier barrier_id(%barrier3A)
    %scan3A = arith.constant 0 : i32
    %scan3A_5 = arith.constant 0 : i32
    %scan3A_6 = arith.constant 14 : i32
    %scan3A_7 = arith.addi %scan3A_5, %scan3A_6 : i32
    %scan3A_8 = arith.constant 1 : i32
    scf.for %scan3A_14 = %scan3A_5 to %scan3A_7 step %scan3A_8  : i32 {
      %mul3A_15 = arith.constant 3 : i32
      %mul3A_16 = arith.muli %scan3A_14, %mul3A_15 : i32
      %add3A_17 = arith.constant 0 : i32
      %add3A_18 = arith.addi %mul3A_16, %add3A_17 : i32
      %mul3A_19 = arith.constant 120 : i32
      %mul3A_20 = arith.muli %add3A_18, %mul3A_19 : i32
      %add3A_21 = arith.addi %add3A, %mul3A_20 : i32
      %mul3A_22 = arith.constant 3 : i32
      %mul3A_23 = arith.muli %scan3A_14, %mul3A_22 : i32
      %add3A_24 = arith.constant 1 : i32
      %add3A_25 = arith.addi %mul3A_23, %add3A_24 : i32
      %mul3A_26 = arith.constant 120 : i32
      %mul3A_27 = arith.muli %add3A_25, %mul3A_26 : i32
      %add3A_28 = arith.addi %add3A, %mul3A_27 : i32
      %mul3A_29 = arith.constant 3 : i32
      %mul3A_30 = arith.muli %scan3A_14, %mul3A_29 : i32
      %add3A_31 = arith.constant 2 : i32
      %add3A_32 = arith.addi %mul3A_30, %add3A_31 : i32
      %mul3A_33 = arith.constant 120 : i32
      %mul3A_34 = arith.muli %add3A_32, %mul3A_33 : i32
      %add3A_35 = arith.addi %add3A, %mul3A_34 : i32
      %dma_start3A = tpu.memref_slice %arg3[%add3A_21] : memref<161280xi32, #tpu.memory_space<hbm>> -> memref<120xi32, #tpu.memory_space<hbm>>
      %dma_start3A_36 = tpu.memref_slice %arg3[%add3A_21] : memref<161280xi32, #tpu.memory_space<hbm>> -> memref<120xi32, #tpu.memory_space<hbm>>
      tpu.enqueue_dma source(%dma_start3A_36 : memref<120xi32, #tpu.memory_space<hbm>>) target(%arg8 : memref<120xi32, #tpu.memory_space<vmem>>) target_semaphore(%arg17 : memref<!tpu.dma_semaphore, #tpu.memory_space<semaphore_mem>>)
      %dma_start3A_37 = tpu.memref_slice %arg3[%add3A_28] : memref<161280xi32, #tpu.memory_space<hbm>> -> memref<120xi32, #tpu.memory_space<hbm>>
      %dma_start3A_38 = tpu.memref_slice %arg3[%add3A_28] : memref<161280xi32, #tpu.memory_space<hbm>> -> memref<120xi32, #tpu.memory_space<hbm>>
      tpu.enqueue_dma source(%dma_start3A_38 : memref<120xi32, #tpu.memory_space<hbm>>) target(%arg9 : memref<120xi32, #tpu.memory_space<vmem>>) target_semaphore(%arg18 : memref<!tpu.dma_semaphore, #tpu.memory_space<semaphore_mem>>)
      %dma_start3A_39 = tpu.memref_slice %arg3[%add3A_35] : memref<161280xi32, #tpu.memory_space<hbm>> -> memref<120xi32, #tpu.memory_space<hbm>>
      %dma_start3A_40 = tpu.memref_slice %arg3[%add3A_35] : memref<161280xi32, #tpu.memory_space<hbm>> -> memref<120xi32, #tpu.memory_space<hbm>>
      tpu.enqueue_dma source(%dma_start3A_40 : memref<120xi32, #tpu.memory_space<hbm>>) target(%arg10 : memref<120xi32, #tpu.memory_space<vmem>>) target_semaphore(%arg19 : memref<!tpu.dma_semaphore, #tpu.memory_space<semaphore_mem>>)
      %dma_start3A_41 = tpu.memref_slice %arg4[%add3A_21] : memref<161280xi32, #tpu.memory_space<hbm>> -> memref<120xi32, #tpu.memory_space<hbm>>
      %dma_start3A_42 = tpu.memref_slice %arg4[%add3A_21] : memref<161280xi32, #tpu.memory_space<hbm>> -> memref<120xi32, #tpu.memory_space<hbm>>
      tpu.enqueue_dma source(%dma_start3A_42 : memref<120xi32, #tpu.memory_space<hbm>>) target(%arg11 : memref<120xi32, #tpu.memory_space<vmem>>) target_semaphore(%arg20 : memref<!tpu.dma_semaphore, #tpu.memory_space<semaphore_mem>>)
      %dma_start3A_43 = tpu.memref_slice %arg4[%add3A_28] : memref<161280xi32, #tpu.memory_space<hbm>> -> memref<120xi32, #tpu.memory_space<hbm>>
      %dma_start3A_44 = tpu.memref_slice %arg4[%add3A_28] : memref<161280xi32, #tpu.memory_space<hbm>> -> memref<120xi32, #tpu.memory_space<hbm>>
      tpu.enqueue_dma source(%dma_start3A_44 : memref<120xi32, #tpu.memory_space<hbm>>) target(%arg12 : memref<120xi32, #tpu.memory_space<vmem>>) target_semaphore(%arg21 : memref<!tpu.dma_semaphore, #tpu.memory_space<semaphore_mem>>)
      %dma_start3A_45 = tpu.memref_slice %arg4[%add3A_35] : memref<161280xi32, #tpu.memory_space<hbm>> -> memref<120xi32, #tpu.memory_space<hbm>>
      %dma_start3A_46 = tpu.memref_slice %arg4[%add3A_35] : memref<161280xi32, #tpu.memory_space<hbm>> -> memref<120xi32, #tpu.memory_space<hbm>>
      tpu.enqueue_dma source(%dma_start3A_46 : memref<120xi32, #tpu.memory_space<hbm>>) target(%arg13 : memref<120xi32, #tpu.memory_space<vmem>>) target_semaphore(%arg22 : memref<!tpu.dma_semaphore, #tpu.memory_space<semaphore_mem>>)
      %dma_wait3A = tpu.memref_slice %arg3[%add3A_21] : memref<161280xi32, #tpu.memory_space<hbm>> -> memref<120xi32, #tpu.memory_space<hbm>>
      %dma_wait3A_47 = tpu.memref_slice %arg3[%add3A_21] : memref<161280xi32, #tpu.memory_space<hbm>> -> memref<120xi32, #tpu.memory_space<hbm>>
      tpu.wait_dma2 semaphore(%arg17 : memref<!tpu.dma_semaphore, #tpu.memory_space<semaphore_mem>>) src(%dma_wait3A_47 : memref<120xi32, #tpu.memory_space<hbm>>) dst(%arg8 : memref<120xi32, #tpu.memory_space<vmem>>)
      %dma_start3A_48 = arith.constant 0 : i32
      %dma_start3A_49 = arith.constant 0 : i32
      %dma_start3A_50 = tpu.memref_slice %arg2[%dma_start3A_48, %dma_start3A_49] : memref<10240x128xf32, #tpu.memory_space<hbm>> -> memref<10240x128xf32, #tpu.memory_space<hbm>>
      tpu.enqueue_indirect_dma source(%dma_start3A_50 : memref<10240x128xf32, #tpu.memory_space<hbm>>) target(%arg14 : memref<120x128xf32, #tpu.memory_space<vmem>>) offsets(%arg8 : memref<120xi32, #tpu.memory_space<vmem>>) semaphore(%arg23 : memref<!tpu.dma_semaphore, #tpu.memory_space<semaphore_mem>>)
      %dma_wait3A_51 = tpu.memref_slice %arg3[%add3A_28] : memref<161280xi32, #tpu.memory_space<hbm>> -> memref<120xi32, #tpu.memory_space<hbm>>
      %dma_wait3A_52 = tpu.memref_slice %arg3[%add3A_28] : memref<161280xi32, #tpu.memory_space<hbm>> -> memref<120xi32, #tpu.memory_space<hbm>>
      tpu.wait_dma2 semaphore(%arg18 : memref<!tpu.dma_semaphore, #tpu.memory_space<semaphore_mem>>) src(%dma_wait3A_52 : memref<120xi32, #tpu.memory_space<hbm>>) dst(%arg9 : memref<120xi32, #tpu.memory_space<vmem>>)
      %dma_start3A_53 = arith.constant 0 : i32
      %dma_start3A_54 = arith.constant 0 : i32
      %dma_start3A_55 = tpu.memref_slice %arg2[%dma_start3A_53, %dma_start3A_54] : memref<10240x128xf32, #tpu.memory_space<hbm>> -> memref<10240x128xf32, #tpu.memory_space<hbm>>
      tpu.enqueue_indirect_dma source(%dma_start3A_55 : memref<10240x128xf32, #tpu.memory_space<hbm>>) target(%arg15 : memref<120x128xf32, #tpu.memory_space<vmem>>) offsets(%arg9 : memref<120xi32, #tpu.memory_space<vmem>>) semaphore(%arg24 : memref<!tpu.dma_semaphore, #tpu.memory_space<semaphore_mem>>)
      %dma_wait3A_56 = tpu.memref_slice %arg3[%add3A_35] : memref<161280xi32, #tpu.memory_space<hbm>> -> memref<120xi32, #tpu.memory_space<hbm>>
      %dma_wait3A_57 = tpu.memref_slice %arg3[%add3A_35] : memref<161280xi32, #tpu.memory_space<hbm>> -> memref<120xi32, #tpu.memory_space<hbm>>
      tpu.wait_dma2 semaphore(%arg19 : memref<!tpu.dma_semaphore, #tpu.memory_space<semaphore_mem>>) src(%dma_wait3A_57 : memref<120xi32, #tpu.memory_space<hbm>>) dst(%arg10 : memref<120xi32, #tpu.memory_space<vmem>>)
      %dma_start3A_58 = arith.constant 0 : i32
      %dma_start3A_59 = arith.constant 0 : i32
      %dma_start3A_60 = tpu.memref_slice %arg2[%dma_start3A_58, %dma_start3A_59] : memref<10240x128xf32, #tpu.memory_space<hbm>> -> memref<10240x128xf32, #tpu.memory_space<hbm>>
      tpu.enqueue_indirect_dma source(%dma_start3A_60 : memref<10240x128xf32, #tpu.memory_space<hbm>>) target(%arg16 : memref<120x128xf32, #tpu.memory_space<vmem>>) offsets(%arg10 : memref<120xi32, #tpu.memory_space<vmem>>) semaphore(%arg25 : memref<!tpu.dma_semaphore, #tpu.memory_space<semaphore_mem>>)
      %dma_wait3A_61 = arith.constant 0 : i32
      %dma_wait3A_62 = arith.constant 0 : i32
      %dma_wait3A_63 = tpu.memref_slice %arg2[%dma_wait3A_61, %dma_wait3A_62] : memref<10240x128xf32, #tpu.memory_space<hbm>> -> memref<10240x128xf32, #tpu.memory_space<hbm>>
      tpu.wait_indirect_dma semaphore(%arg23 : memref<!tpu.dma_semaphore, #tpu.memory_space<semaphore_mem>>) src(%dma_wait3A_63 : memref<10240x128xf32, #tpu.memory_space<hbm>>) dst(%arg14 : memref<120x128xf32, #tpu.memory_space<vmem>>)
      %dma_wait3A_64 = tpu.memref_slice %arg4[%add3A_21] : memref<161280xi32, #tpu.memory_space<hbm>> -> memref<120xi32, #tpu.memory_space<hbm>>
      %dma_wait3A_65 = tpu.memref_slice %arg4[%add3A_21] : memref<161280xi32, #tpu.memory_space<hbm>> -> memref<120xi32, #tpu.memory_space<hbm>>
      tpu.wait_dma2 semaphore(%arg20 : memref<!tpu.dma_semaphore, #tpu.memory_space<semaphore_mem>>) src(%dma_wait3A_65 : memref<120xi32, #tpu.memory_space<hbm>>) dst(%arg11 : memref<120xi32, #tpu.memory_space<vmem>>)
      %dma_start3A_66 = arith.constant 0 : i32
      %dma_start3A_67 = arith.constant 0 : i32
      %dma_start3A_68 = tpu.memref_slice %arg7[%dma_start3A_66, %dma_start3A_67] : memref<10240x128xf32, #tpu.memory_space<vmem_shared>> -> memref<10240x128xf32, #tpu.memory_space<vmem_shared>>
      tpu.enqueue_indirect_dma source(%arg14 : memref<120x128xf32, #tpu.memory_space<vmem>>) target(%dma_start3A_68 : memref<10240x128xf32, #tpu.memory_space<vmem_shared>>) offsets(%arg11 : memref<120xi32, #tpu.memory_space<vmem>>) semaphore(%arg26 : memref<!tpu.dma_semaphore, #tpu.memory_space<semaphore_mem>>) {add = true}
      %dma_wait3A_69 = arith.constant 0 : i32
      %dma_wait3A_70 = arith.constant 0 : i32
      %dma_wait3A_71 = tpu.memref_slice %arg2[%dma_wait3A_69, %dma_wait3A_70] : memref<10240x128xf32, #tpu.memory_space<hbm>> -> memref<10240x128xf32, #tpu.memory_space<hbm>>
      tpu.wait_indirect_dma semaphore(%arg24 : memref<!tpu.dma_semaphore, #tpu.memory_space<semaphore_mem>>) src(%dma_wait3A_71 : memref<10240x128xf32, #tpu.memory_space<hbm>>) dst(%arg15 : memref<120x128xf32, #tpu.memory_space<vmem>>)
      %dma_wait3A_72 = tpu.memref_slice %arg4[%add3A_28] : memref<161280xi32, #tpu.memory_space<hbm>> -> memref<120xi32, #tpu.memory_space<hbm>>
      %dma_wait3A_73 = tpu.memref_slice %arg4[%add3A_28] : memref<161280xi32, #tpu.memory_space<hbm>> -> memref<120xi32, #tpu.memory_space<hbm>>
      tpu.wait_dma2 semaphore(%arg21 : memref<!tpu.dma_semaphore, #tpu.memory_space<semaphore_mem>>) src(%dma_wait3A_73 : memref<120xi32, #tpu.memory_space<hbm>>) dst(%arg12 : memref<120xi32, #tpu.memory_space<vmem>>)
      %dma_start3A_74 = arith.constant 0 : i32
      %dma_start3A_75 = arith.constant 0 : i32
      %dma_start3A_76 = tpu.memref_slice %arg7[%dma_start3A_74, %dma_start3A_75] : memref<10240x128xf32, #tpu.memory_space<vmem_shared>> -> memref<10240x128xf32, #tpu.memory_space<vmem_shared>>
      tpu.enqueue_indirect_dma source(%arg15 : memref<120x128xf32, #tpu.memory_space<vmem>>) target(%dma_start3A_76 : memref<10240x128xf32, #tpu.memory_space<vmem_shared>>) offsets(%arg12 : memref<120xi32, #tpu.memory_space<vmem>>) semaphore(%arg27 : memref<!tpu.dma_semaphore, #tpu.memory_space<semaphore_mem>>) {add = true}
      %dma_wait3A_77 = arith.constant 0 : i32
      %dma_wait3A_78 = arith.constant 0 : i32
      %dma_wait3A_79 = tpu.memref_slice %arg2[%dma_wait3A_77, %dma_wait3A_78] : memref<10240x128xf32, #tpu.memory_space<hbm>> -> memref<10240x128xf32, #tpu.memory_space<hbm>>
      tpu.wait_indirect_dma semaphore(%arg25 : memref<!tpu.dma_semaphore, #tpu.memory_space<semaphore_mem>>) src(%dma_wait3A_79 : memref<10240x128xf32, #tpu.memory_space<hbm>>) dst(%arg16 : memref<120x128xf32, #tpu.memory_space<vmem>>)
      %dma_wait3A_80 = tpu.memref_slice %arg4[%add3A_35] : memref<161280xi32, #tpu.memory_space<hbm>> -> memref<120xi32, #tpu.memory_space<hbm>>
      %dma_wait3A_81 = tpu.memref_slice %arg4[%add3A_35] : memref<161280xi32, #tpu.memory_space<hbm>> -> memref<120xi32, #tpu.memory_space<hbm>>
      tpu.wait_dma2 semaphore(%arg22 : memref<!tpu.dma_semaphore, #tpu.memory_space<semaphore_mem>>) src(%dma_wait3A_81 : memref<120xi32, #tpu.memory_space<hbm>>) dst(%arg13 : memref<120xi32, #tpu.memory_space<vmem>>)
      %dma_start3A_82 = arith.constant 0 : i32
      %dma_start3A_83 = arith.constant 0 : i32
      %dma_start3A_84 = tpu.memref_slice %arg7[%dma_start3A_82, %dma_start3A_83] : memref<10240x128xf32, #tpu.memory_space<vmem_shared>> -> memref<10240x128xf32, #tpu.memory_space<vmem_shared>>
      tpu.enqueue_indirect_dma source(%arg16 : memref<120x128xf32, #tpu.memory_space<vmem>>) target(%dma_start3A_84 : memref<10240x128xf32, #tpu.memory_space<vmem_shared>>) offsets(%arg13 : memref<120xi32, #tpu.memory_space<vmem>>) semaphore(%arg28 : memref<!tpu.dma_semaphore, #tpu.memory_space<semaphore_mem>>) {add = true}
      %dma_wait3A_85 = arith.constant 0 : i32
      %dma_wait3A_86 = arith.constant 0 : i32
      %dma_wait3A_87 = tpu.memref_slice %arg7[%dma_wait3A_85, %dma_wait3A_86] : memref<10240x128xf32, #tpu.memory_space<vmem_shared>> -> memref<10240x128xf32, #tpu.memory_space<vmem_shared>>
      tpu.wait_indirect_dma semaphore(%arg26 : memref<!tpu.dma_semaphore, #tpu.memory_space<semaphore_mem>>) src(%arg14 : memref<120x128xf32, #tpu.memory_space<vmem>>) dst(%dma_wait3A_87 : memref<10240x128xf32, #tpu.memory_space<vmem_shared>>)
      %dma_wait3A_88 = arith.constant 0 : i32
      %dma_wait3A_89 = arith.constant 0 : i32
      %dma_wait3A_90 = tpu.memref_slice %arg7[%dma_wait3A_88, %dma_wait3A_89] : memref<10240x128xf32, #tpu.memory_space<vmem_shared>> -> memref<10240x128xf32, #tpu.memory_space<vmem_shared>>
      tpu.wait_indirect_dma semaphore(%arg27 : memref<!tpu.dma_semaphore, #tpu.memory_space<semaphore_mem>>) src(%arg15 : memref<120x128xf32, #tpu.memory_space<vmem>>) dst(%dma_wait3A_90 : memref<10240x128xf32, #tpu.memory_space<vmem_shared>>)
      %dma_wait3A_91 = arith.constant 0 : i32
      %dma_wait3A_92 = arith.constant 0 : i32
      %dma_wait3A_93 = tpu.memref_slice %arg7[%dma_wait3A_91, %dma_wait3A_92] : memref<10240x128xf32, #tpu.memory_space<vmem_shared>> -> memref<10240x128xf32, #tpu.memory_space<vmem_shared>>
      tpu.wait_indirect_dma semaphore(%arg28 : memref<!tpu.dma_semaphore, #tpu.memory_space<semaphore_mem>>) src(%arg16 : memref<120x128xf32, #tpu.memory_space<vmem>>) dst(%dma_wait3A_93 : memref<10240x128xf32, #tpu.memory_space<vmem_shared>>)
    }
    %scan3A_9 = arith.constant 14 : i32
    %barrier3A_10 = arith.constant 0 : index
    tpu.barrier barrier_id(%barrier3A_10)
    %mul3A_11 = arith.constant 10240 : i32
    %mul3A_12 = arith.muli %arg0, %mul3A_11 : i32
    %add3A_13 = arith.addi %mul3A_12, %mul3A_0 : i32
    "tpu.region"() ({
      %run_scoped3A = tpu.sem_alloc : memref<!tpu.dma_semaphore, #tpu.memory_space<semaphore_mem>>
      %dma_start3A = arith.constant 0 : i32
      %dma_start3A_14 = tpu.memref_slice %arg6[%add3A_13, %dma_start3A] : memref<20480x128xf32, #tpu.memory_space<hbm>> -> memref<640x128xf32, #tpu.memory_space<hbm>>
      %dma_start3A_15 = arith.constant 0 : i32
      %dma_start3A_16 = tpu.memref_slice %arg7[%mul3A_0, %dma_start3A_15] : memref<10240x128xf32, #tpu.memory_space<vmem_shared>> -> memref<640x128xf32, #tpu.memory_space<vmem_shared>>
      tpu.enqueue_dma source(%dma_start3A_16 : memref<640x128xf32, #tpu.memory_space<vmem_shared>>) target(%dma_start3A_14 : memref<640x128xf32, #tpu.memory_space<hbm>>) target_semaphore(%run_scoped3A : memref<!tpu.dma_semaphore, #tpu.memory_space<semaphore_mem>>)
      %dma_wait3A = arith.constant 0 : i32
      %dma_wait3A_17 = tpu.memref_slice %arg6[%add3A_13, %dma_wait3A] : memref<20480x128xf32, #tpu.memory_space<hbm>> -> memref<640x128xf32, #tpu.memory_space<hbm>>
      %dma_wait3A_18 = arith.constant 0 : i32
      %dma_wait3A_19 = tpu.memref_slice %arg7[%mul3A_0, %dma_wait3A_18] : memref<10240x128xf32, #tpu.memory_space<vmem_shared>> -> memref<640x128xf32, #tpu.memory_space<vmem_shared>>
      tpu.wait_dma2 semaphore(%run_scoped3A : memref<!tpu.dma_semaphore, #tpu.memory_space<semaphore_mem>>) src(%dma_wait3A_19 : memref<640x128xf32, #tpu.memory_space<vmem_shared>>) dst(%dma_wait3A_17 : memref<640x128xf32, #tpu.memory_space<hbm>>)
      tpu.yield
    }) : () -> ()
    return
  }
}

#map = affine_map<(d0, d1) -> (0, 0)>
#map1 = affine_map<(d0, d1) -> (0)>
module attributes {stable_mosaic.version = 14 : i64} {
  func.func @body(%arg0: i32, %arg1: i32, %arg2: memref<20480x128xf32, #tpu.memory_space<hbm>>, %arg3: memref<322560xi32, #tpu.memory_space<hbm>>, %arg4: memref<322560xi32, #tpu.memory_space<hbm>>, %arg5: memref<10240x128xf32, #tpu.memory_space<hbm>>, %arg6: memref<20480x128xf32, #tpu.memory_space<hbm>>, %arg7: memref<20480x128xf32, #tpu.memory_space<hbm>>, %arg8: memref<10240x128xf32, #tpu.memory_space<vmem_shared>>, %arg9: memref<120xi32, #tpu.memory_space<vmem>>, %arg10: memref<120xi32, #tpu.memory_space<vmem>>, %arg11: memref<120xi32, #tpu.memory_space<vmem>>, %arg12: memref<120xi32, #tpu.memory_space<vmem>>, %arg13: memref<120xi32, #tpu.memory_space<vmem>>, %arg14: memref<120xi32, #tpu.memory_space<vmem>>, %arg15: memref<120x128xf32, #tpu.memory_space<vmem>>, %arg16: memref<120x128xf32, #tpu.memory_space<vmem>>, %arg17: memref<120x128xf32, #tpu.memory_space<vmem>>, %arg18: memref<!tpu.dma_semaphore, #tpu.memory_space<semaphore_mem>>, %arg19: memref<!tpu.dma_semaphore, #tpu.memory_space<semaphore_mem>>, %arg20: memref<!tpu.dma_semaphore, #tpu.memory_space<semaphore_mem>>, %arg21: memref<!tpu.dma_semaphore, #tpu.memory_space<semaphore_mem>>, %arg22: memref<!tpu.dma_semaphore, #tpu.memory_space<semaphore_mem>>, %arg23: memref<!tpu.dma_semaphore, #tpu.memory_space<semaphore_mem>>, %arg24: memref<!tpu.dma_semaphore, #tpu.memory_space<semaphore_mem>>, %arg25: memref<!tpu.dma_semaphore, #tpu.memory_space<semaphore_mem>>, %arg26: memref<!tpu.dma_semaphore, #tpu.memory_space<semaphore_mem>>, %arg27: memref<!tpu.dma_semaphore, #tpu.memory_space<semaphore_mem>>, %arg28: memref<!tpu.dma_semaphore, #tpu.memory_space<semaphore_mem>>, %arg29: memref<!tpu.dma_semaphore, #tpu.memory_space<semaphore_mem>>) attributes {dimension_semantics = [#tpu.dimension_semantics<core_parallel>, #tpu.dimension_semantics<subcore_parallel>], iteration_bounds = array<i64: 2, 16>, scalar_prefetch = 0 : i64, scratch_operands = 22 : i64, tpu.core_type = #tpu.core_type<sc_vector_subcore>, window_params = [{transform_indices = #map}, {transform_indices = #map1}, {transform_indices = #map1}, {transform_indices = #map}, {transform_indices = #map}, {transform_indices = #map}]} {
    %mul3A = arith.constant 640 : i32
    %mul3A_0 = arith.muli %arg1, %mul3A : i32
    %mul3A_1 = arith.constant 161280 : i32
    %mul3A_2 = arith.muli %arg0, %mul3A_1 : i32
    %mul3A_3 = arith.constant 10080 : i32
    %mul3A_4 = arith.muli %arg1, %mul3A_3 : i32
    %add3A = arith.addi %mul3A_2, %mul3A_4 : i32
    "tpu.region"() ({
      %run_scoped3A = tpu.sem_alloc : memref<!tpu.dma_semaphore, #tpu.memory_space<semaphore_mem>>
      %dma_start3A = arith.constant 0 : i32
      %dma_start3A_37 = tpu.memref_slice %arg8[%mul3A_0, %dma_start3A] : memref<10240x128xf32, #tpu.memory_space<vmem_shared>> -> memref<640x128xf32, #tpu.memory_space<vmem_shared>>
      %dma_start3A_38 = arith.constant 0 : i32
      %dma_start3A_39 = tpu.memref_slice %arg5[%mul3A_0, %dma_start3A_38] : memref<10240x128xf32, #tpu.memory_space<hbm>> -> memref<640x128xf32, #tpu.memory_space<hbm>>
      tpu.enqueue_dma source(%dma_start3A_39 : memref<640x128xf32, #tpu.memory_space<hbm>>) target(%dma_start3A_37 : memref<640x128xf32, #tpu.memory_space<vmem_shared>>) target_semaphore(%run_scoped3A : memref<!tpu.dma_semaphore, #tpu.memory_space<semaphore_mem>>)
      %dma_wait3A = arith.constant 0 : i32
      %dma_wait3A_40 = tpu.memref_slice %arg8[%mul3A_0, %dma_wait3A] : memref<10240x128xf32, #tpu.memory_space<vmem_shared>> -> memref<640x128xf32, #tpu.memory_space<vmem_shared>>
      %dma_wait3A_41 = arith.constant 0 : i32
      %dma_wait3A_42 = tpu.memref_slice %arg5[%mul3A_0, %dma_wait3A_41] : memref<10240x128xf32, #tpu.memory_space<hbm>> -> memref<640x128xf32, #tpu.memory_space<hbm>>
      tpu.wait_dma2 semaphore(%run_scoped3A : memref<!tpu.dma_semaphore, #tpu.memory_space<semaphore_mem>>) src(%dma_wait3A_42 : memref<640x128xf32, #tpu.memory_space<hbm>>) dst(%dma_wait3A_40 : memref<640x128xf32, #tpu.memory_space<vmem_shared>>)
      tpu.yield
    }) : () -> ()
    %barrier3A = arith.constant 0 : index
    tpu.barrier barrier_id(%barrier3A)
    %scan3A = arith.constant 0 : i32
    %scan3A_5 = arith.constant 0 : i32
    %scan3A_6 = arith.constant 28 : i32
    %scan3A_7 = arith.addi %scan3A_5, %scan3A_6 : i32
    %scan3A_8 = arith.constant 1 : i32
    scf.for %scan3A_37 = %scan3A_5 to %scan3A_7 step %scan3A_8  : i32 {
      %mul3A_38 = arith.constant 3 : i32
      %mul3A_39 = arith.muli %scan3A_37, %mul3A_38 : i32
      %add3A_40 = arith.constant 0 : i32
      %add3A_41 = arith.addi %mul3A_39, %add3A_40 : i32
      %mul3A_42 = arith.constant 120 : i32
      %mul3A_43 = arith.muli %add3A_41, %mul3A_42 : i32
      %add3A_44 = arith.addi %add3A, %mul3A_43 : i32
      %mul3A_45 = arith.constant 3 : i32
      %mul3A_46 = arith.muli %scan3A_37, %mul3A_45 : i32
      %add3A_47 = arith.constant 1 : i32
      %add3A_48 = arith.addi %mul3A_46, %add3A_47 : i32
      %mul3A_49 = arith.constant 120 : i32
      %mul3A_50 = arith.muli %add3A_48, %mul3A_49 : i32
      %add3A_51 = arith.addi %add3A, %mul3A_50 : i32
      %mul3A_52 = arith.constant 3 : i32
      %mul3A_53 = arith.muli %scan3A_37, %mul3A_52 : i32
      %add3A_54 = arith.constant 2 : i32
      %add3A_55 = arith.addi %mul3A_53, %add3A_54 : i32
      %mul3A_56 = arith.constant 120 : i32
      %mul3A_57 = arith.muli %add3A_55, %mul3A_56 : i32
      %add3A_58 = arith.addi %add3A, %mul3A_57 : i32
      %dma_start3A = tpu.memref_slice %arg3[%add3A_44] : memref<322560xi32, #tpu.memory_space<hbm>> -> memref<120xi32, #tpu.memory_space<hbm>>
      %dma_start3A_59 = tpu.memref_slice %arg3[%add3A_44] : memref<322560xi32, #tpu.memory_space<hbm>> -> memref<120xi32, #tpu.memory_space<hbm>>
      tpu.enqueue_dma source(%dma_start3A_59 : memref<120xi32, #tpu.memory_space<hbm>>) target(%arg9 : memref<120xi32, #tpu.memory_space<vmem>>) target_semaphore(%arg18 : memref<!tpu.dma_semaphore, #tpu.memory_space<semaphore_mem>>)
      %dma_start3A_60 = tpu.memref_slice %arg3[%add3A_51] : memref<322560xi32, #tpu.memory_space<hbm>> -> memref<120xi32, #tpu.memory_space<hbm>>
      %dma_start3A_61 = tpu.memref_slice %arg3[%add3A_51] : memref<322560xi32, #tpu.memory_space<hbm>> -> memref<120xi32, #tpu.memory_space<hbm>>
      tpu.enqueue_dma source(%dma_start3A_61 : memref<120xi32, #tpu.memory_space<hbm>>) target(%arg10 : memref<120xi32, #tpu.memory_space<vmem>>) target_semaphore(%arg19 : memref<!tpu.dma_semaphore, #tpu.memory_space<semaphore_mem>>)
      %dma_start3A_62 = tpu.memref_slice %arg3[%add3A_58] : memref<322560xi32, #tpu.memory_space<hbm>> -> memref<120xi32, #tpu.memory_space<hbm>>
      %dma_start3A_63 = tpu.memref_slice %arg3[%add3A_58] : memref<322560xi32, #tpu.memory_space<hbm>> -> memref<120xi32, #tpu.memory_space<hbm>>
      tpu.enqueue_dma source(%dma_start3A_63 : memref<120xi32, #tpu.memory_space<hbm>>) target(%arg11 : memref<120xi32, #tpu.memory_space<vmem>>) target_semaphore(%arg20 : memref<!tpu.dma_semaphore, #tpu.memory_space<semaphore_mem>>)
      %dma_start3A_64 = tpu.memref_slice %arg4[%add3A_44] : memref<322560xi32, #tpu.memory_space<hbm>> -> memref<120xi32, #tpu.memory_space<hbm>>
      %dma_start3A_65 = tpu.memref_slice %arg4[%add3A_44] : memref<322560xi32, #tpu.memory_space<hbm>> -> memref<120xi32, #tpu.memory_space<hbm>>
      tpu.enqueue_dma source(%dma_start3A_65 : memref<120xi32, #tpu.memory_space<hbm>>) target(%arg12 : memref<120xi32, #tpu.memory_space<vmem>>) target_semaphore(%arg21 : memref<!tpu.dma_semaphore, #tpu.memory_space<semaphore_mem>>)
      %dma_start3A_66 = tpu.memref_slice %arg4[%add3A_51] : memref<322560xi32, #tpu.memory_space<hbm>> -> memref<120xi32, #tpu.memory_space<hbm>>
      %dma_start3A_67 = tpu.memref_slice %arg4[%add3A_51] : memref<322560xi32, #tpu.memory_space<hbm>> -> memref<120xi32, #tpu.memory_space<hbm>>
      tpu.enqueue_dma source(%dma_start3A_67 : memref<120xi32, #tpu.memory_space<hbm>>) target(%arg13 : memref<120xi32, #tpu.memory_space<vmem>>) target_semaphore(%arg22 : memref<!tpu.dma_semaphore, #tpu.memory_space<semaphore_mem>>)
      %dma_start3A_68 = tpu.memref_slice %arg4[%add3A_58] : memref<322560xi32, #tpu.memory_space<hbm>> -> memref<120xi32, #tpu.memory_space<hbm>>
      %dma_start3A_69 = tpu.memref_slice %arg4[%add3A_58] : memref<322560xi32, #tpu.memory_space<hbm>> -> memref<120xi32, #tpu.memory_space<hbm>>
      tpu.enqueue_dma source(%dma_start3A_69 : memref<120xi32, #tpu.memory_space<hbm>>) target(%arg14 : memref<120xi32, #tpu.memory_space<vmem>>) target_semaphore(%arg23 : memref<!tpu.dma_semaphore, #tpu.memory_space<semaphore_mem>>)
      %dma_wait3A = tpu.memref_slice %arg3[%add3A_44] : memref<322560xi32, #tpu.memory_space<hbm>> -> memref<120xi32, #tpu.memory_space<hbm>>
      %dma_wait3A_70 = tpu.memref_slice %arg3[%add3A_44] : memref<322560xi32, #tpu.memory_space<hbm>> -> memref<120xi32, #tpu.memory_space<hbm>>
      tpu.wait_dma2 semaphore(%arg18 : memref<!tpu.dma_semaphore, #tpu.memory_space<semaphore_mem>>) src(%dma_wait3A_70 : memref<120xi32, #tpu.memory_space<hbm>>) dst(%arg9 : memref<120xi32, #tpu.memory_space<vmem>>)
      %dma_start3A_71 = arith.constant 0 : i32
      %dma_start3A_72 = arith.constant 0 : i32
      %dma_start3A_73 = tpu.memref_slice %arg2[%dma_start3A_71, %dma_start3A_72] : memref<20480x128xf32, #tpu.memory_space<hbm>> -> memref<20480x128xf32, #tpu.memory_space<hbm>>
      tpu.enqueue_indirect_dma source(%dma_start3A_73 : memref<20480x128xf32, #tpu.memory_space<hbm>>) target(%arg15 : memref<120x128xf32, #tpu.memory_space<vmem>>) offsets(%arg9 : memref<120xi32, #tpu.memory_space<vmem>>) semaphore(%arg24 : memref<!tpu.dma_semaphore, #tpu.memory_space<semaphore_mem>>)
      %dma_wait3A_74 = tpu.memref_slice %arg3[%add3A_51] : memref<322560xi32, #tpu.memory_space<hbm>> -> memref<120xi32, #tpu.memory_space<hbm>>
      %dma_wait3A_75 = tpu.memref_slice %arg3[%add3A_51] : memref<322560xi32, #tpu.memory_space<hbm>> -> memref<120xi32, #tpu.memory_space<hbm>>
      tpu.wait_dma2 semaphore(%arg19 : memref<!tpu.dma_semaphore, #tpu.memory_space<semaphore_mem>>) src(%dma_wait3A_75 : memref<120xi32, #tpu.memory_space<hbm>>) dst(%arg10 : memref<120xi32, #tpu.memory_space<vmem>>)
      %dma_start3A_76 = arith.constant 0 : i32
      %dma_start3A_77 = arith.constant 0 : i32
      %dma_start3A_78 = tpu.memref_slice %arg2[%dma_start3A_76, %dma_start3A_77] : memref<20480x128xf32, #tpu.memory_space<hbm>> -> memref<20480x128xf32, #tpu.memory_space<hbm>>
      tpu.enqueue_indirect_dma source(%dma_start3A_78 : memref<20480x128xf32, #tpu.memory_space<hbm>>) target(%arg16 : memref<120x128xf32, #tpu.memory_space<vmem>>) offsets(%arg10 : memref<120xi32, #tpu.memory_space<vmem>>) semaphore(%arg25 : memref<!tpu.dma_semaphore, #tpu.memory_space<semaphore_mem>>)
      %dma_wait3A_79 = tpu.memref_slice %arg3[%add3A_58] : memref<322560xi32, #tpu.memory_space<hbm>> -> memref<120xi32, #tpu.memory_space<hbm>>
      %dma_wait3A_80 = tpu.memref_slice %arg3[%add3A_58] : memref<322560xi32, #tpu.memory_space<hbm>> -> memref<120xi32, #tpu.memory_space<hbm>>
      tpu.wait_dma2 semaphore(%arg20 : memref<!tpu.dma_semaphore, #tpu.memory_space<semaphore_mem>>) src(%dma_wait3A_80 : memref<120xi32, #tpu.memory_space<hbm>>) dst(%arg11 : memref<120xi32, #tpu.memory_space<vmem>>)
      %dma_start3A_81 = arith.constant 0 : i32
      %dma_start3A_82 = arith.constant 0 : i32
      %dma_start3A_83 = tpu.memref_slice %arg2[%dma_start3A_81, %dma_start3A_82] : memref<20480x128xf32, #tpu.memory_space<hbm>> -> memref<20480x128xf32, #tpu.memory_space<hbm>>
      tpu.enqueue_indirect_dma source(%dma_start3A_83 : memref<20480x128xf32, #tpu.memory_space<hbm>>) target(%arg17 : memref<120x128xf32, #tpu.memory_space<vmem>>) offsets(%arg11 : memref<120xi32, #tpu.memory_space<vmem>>) semaphore(%arg26 : memref<!tpu.dma_semaphore, #tpu.memory_space<semaphore_mem>>)
      %dma_wait3A_84 = arith.constant 0 : i32
      %dma_wait3A_85 = arith.constant 0 : i32
      %dma_wait3A_86 = tpu.memref_slice %arg2[%dma_wait3A_84, %dma_wait3A_85] : memref<20480x128xf32, #tpu.memory_space<hbm>> -> memref<20480x128xf32, #tpu.memory_space<hbm>>
      tpu.wait_indirect_dma semaphore(%arg24 : memref<!tpu.dma_semaphore, #tpu.memory_space<semaphore_mem>>) src(%dma_wait3A_86 : memref<20480x128xf32, #tpu.memory_space<hbm>>) dst(%arg15 : memref<120x128xf32, #tpu.memory_space<vmem>>)
      %dma_wait3A_87 = tpu.memref_slice %arg4[%add3A_44] : memref<322560xi32, #tpu.memory_space<hbm>> -> memref<120xi32, #tpu.memory_space<hbm>>
      %dma_wait3A_88 = tpu.memref_slice %arg4[%add3A_44] : memref<322560xi32, #tpu.memory_space<hbm>> -> memref<120xi32, #tpu.memory_space<hbm>>
      tpu.wait_dma2 semaphore(%arg21 : memref<!tpu.dma_semaphore, #tpu.memory_space<semaphore_mem>>) src(%dma_wait3A_88 : memref<120xi32, #tpu.memory_space<hbm>>) dst(%arg12 : memref<120xi32, #tpu.memory_space<vmem>>)
      %dma_start3A_89 = arith.constant 0 : i32
      %dma_start3A_90 = arith.constant 0 : i32
      %dma_start3A_91 = tpu.memref_slice %arg8[%dma_start3A_89, %dma_start3A_90] : memref<10240x128xf32, #tpu.memory_space<vmem_shared>> -> memref<10240x128xf32, #tpu.memory_space<vmem_shared>>
      tpu.enqueue_indirect_dma source(%arg15 : memref<120x128xf32, #tpu.memory_space<vmem>>) target(%dma_start3A_91 : memref<10240x128xf32, #tpu.memory_space<vmem_shared>>) offsets(%arg12 : memref<120xi32, #tpu.memory_space<vmem>>) semaphore(%arg27 : memref<!tpu.dma_semaphore, #tpu.memory_space<semaphore_mem>>) {add = true}
      %dma_wait3A_92 = arith.constant 0 : i32
      %dma_wait3A_93 = arith.constant 0 : i32
      %dma_wait3A_94 = tpu.memref_slice %arg2[%dma_wait3A_92, %dma_wait3A_93] : memref<20480x128xf32, #tpu.memory_space<hbm>> -> memref<20480x128xf32, #tpu.memory_space<hbm>>
      tpu.wait_indirect_dma semaphore(%arg25 : memref<!tpu.dma_semaphore, #tpu.memory_space<semaphore_mem>>) src(%dma_wait3A_94 : memref<20480x128xf32, #tpu.memory_space<hbm>>) dst(%arg16 : memref<120x128xf32, #tpu.memory_space<vmem>>)
      %dma_wait3A_95 = tpu.memref_slice %arg4[%add3A_51] : memref<322560xi32, #tpu.memory_space<hbm>> -> memref<120xi32, #tpu.memory_space<hbm>>
      %dma_wait3A_96 = tpu.memref_slice %arg4[%add3A_51] : memref<322560xi32, #tpu.memory_space<hbm>> -> memref<120xi32, #tpu.memory_space<hbm>>
      tpu.wait_dma2 semaphore(%arg22 : memref<!tpu.dma_semaphore, #tpu.memory_space<semaphore_mem>>) src(%dma_wait3A_96 : memref<120xi32, #tpu.memory_space<hbm>>) dst(%arg13 : memref<120xi32, #tpu.memory_space<vmem>>)
      %dma_start3A_97 = arith.constant 0 : i32
      %dma_start3A_98 = arith.constant 0 : i32
      %dma_start3A_99 = tpu.memref_slice %arg8[%dma_start3A_97, %dma_start3A_98] : memref<10240x128xf32, #tpu.memory_space<vmem_shared>> -> memref<10240x128xf32, #tpu.memory_space<vmem_shared>>
      tpu.enqueue_indirect_dma source(%arg16 : memref<120x128xf32, #tpu.memory_space<vmem>>) target(%dma_start3A_99 : memref<10240x128xf32, #tpu.memory_space<vmem_shared>>) offsets(%arg13 : memref<120xi32, #tpu.memory_space<vmem>>) semaphore(%arg28 : memref<!tpu.dma_semaphore, #tpu.memory_space<semaphore_mem>>) {add = true}
      %dma_wait3A_100 = arith.constant 0 : i32
      %dma_wait3A_101 = arith.constant 0 : i32
      %dma_wait3A_102 = tpu.memref_slice %arg2[%dma_wait3A_100, %dma_wait3A_101] : memref<20480x128xf32, #tpu.memory_space<hbm>> -> memref<20480x128xf32, #tpu.memory_space<hbm>>
      tpu.wait_indirect_dma semaphore(%arg26 : memref<!tpu.dma_semaphore, #tpu.memory_space<semaphore_mem>>) src(%dma_wait3A_102 : memref<20480x128xf32, #tpu.memory_space<hbm>>) dst(%arg17 : memref<120x128xf32, #tpu.memory_space<vmem>>)
      %dma_wait3A_103 = tpu.memref_slice %arg4[%add3A_58] : memref<322560xi32, #tpu.memory_space<hbm>> -> memref<120xi32, #tpu.memory_space<hbm>>
      %dma_wait3A_104 = tpu.memref_slice %arg4[%add3A_58] : memref<322560xi32, #tpu.memory_space<hbm>> -> memref<120xi32, #tpu.memory_space<hbm>>
      tpu.wait_dma2 semaphore(%arg23 : memref<!tpu.dma_semaphore, #tpu.memory_space<semaphore_mem>>) src(%dma_wait3A_104 : memref<120xi32, #tpu.memory_space<hbm>>) dst(%arg14 : memref<120xi32, #tpu.memory_space<vmem>>)
      %dma_start3A_105 = arith.constant 0 : i32
      %dma_start3A_106 = arith.constant 0 : i32
      %dma_start3A_107 = tpu.memref_slice %arg8[%dma_start3A_105, %dma_start3A_106] : memref<10240x128xf32, #tpu.memory_space<vmem_shared>> -> memref<10240x128xf32, #tpu.memory_space<vmem_shared>>
      tpu.enqueue_indirect_dma source(%arg17 : memref<120x128xf32, #tpu.memory_space<vmem>>) target(%dma_start3A_107 : memref<10240x128xf32, #tpu.memory_space<vmem_shared>>) offsets(%arg14 : memref<120xi32, #tpu.memory_space<vmem>>) semaphore(%arg29 : memref<!tpu.dma_semaphore, #tpu.memory_space<semaphore_mem>>) {add = true}
      %dma_wait3A_108 = arith.constant 0 : i32
      %dma_wait3A_109 = arith.constant 0 : i32
      %dma_wait3A_110 = tpu.memref_slice %arg8[%dma_wait3A_108, %dma_wait3A_109] : memref<10240x128xf32, #tpu.memory_space<vmem_shared>> -> memref<10240x128xf32, #tpu.memory_space<vmem_shared>>
      tpu.wait_indirect_dma semaphore(%arg27 : memref<!tpu.dma_semaphore, #tpu.memory_space<semaphore_mem>>) src(%arg15 : memref<120x128xf32, #tpu.memory_space<vmem>>) dst(%dma_wait3A_110 : memref<10240x128xf32, #tpu.memory_space<vmem_shared>>)
      %dma_wait3A_111 = arith.constant 0 : i32
      %dma_wait3A_112 = arith.constant 0 : i32
      %dma_wait3A_113 = tpu.memref_slice %arg8[%dma_wait3A_111, %dma_wait3A_112] : memref<10240x128xf32, #tpu.memory_space<vmem_shared>> -> memref<10240x128xf32, #tpu.memory_space<vmem_shared>>
      tpu.wait_indirect_dma semaphore(%arg28 : memref<!tpu.dma_semaphore, #tpu.memory_space<semaphore_mem>>) src(%arg16 : memref<120x128xf32, #tpu.memory_space<vmem>>) dst(%dma_wait3A_113 : memref<10240x128xf32, #tpu.memory_space<vmem_shared>>)
      %dma_wait3A_114 = arith.constant 0 : i32
      %dma_wait3A_115 = arith.constant 0 : i32
      %dma_wait3A_116 = tpu.memref_slice %arg8[%dma_wait3A_114, %dma_wait3A_115] : memref<10240x128xf32, #tpu.memory_space<vmem_shared>> -> memref<10240x128xf32, #tpu.memory_space<vmem_shared>>
      tpu.wait_indirect_dma semaphore(%arg29 : memref<!tpu.dma_semaphore, #tpu.memory_space<semaphore_mem>>) src(%arg17 : memref<120x128xf32, #tpu.memory_space<vmem>>) dst(%dma_wait3A_116 : memref<10240x128xf32, #tpu.memory_space<vmem_shared>>)
    }
    %scan3A_9 = arith.constant 28 : i32
    %barrier3A_10 = arith.constant 0 : index
    tpu.barrier barrier_id(%barrier3A_10)
    %mul3A_11 = arith.constant 10240 : i32
    %mul3A_12 = arith.muli %arg0, %mul3A_11 : i32
    %add3A_13 = arith.addi %mul3A_12, %mul3A_0 : i32
    "tpu.region"() ({
      %run_scoped3A = tpu.sem_alloc : memref<!tpu.dma_semaphore, #tpu.memory_space<semaphore_mem>>
      %dma_start3A = arith.constant 0 : i32
      %dma_start3A_37 = tpu.memref_slice %arg6[%add3A_13, %dma_start3A] : memref<20480x128xf32, #tpu.memory_space<hbm>> -> memref<640x128xf32, #tpu.memory_space<hbm>>
      %dma_start3A_38 = arith.constant 0 : i32
      %dma_start3A_39 = tpu.memref_slice %arg8[%mul3A_0, %dma_start3A_38] : memref<10240x128xf32, #tpu.memory_space<vmem_shared>> -> memref<640x128xf32, #tpu.memory_space<vmem_shared>>
      tpu.enqueue_dma source(%dma_start3A_39 : memref<640x128xf32, #tpu.memory_space<vmem_shared>>) target(%dma_start3A_37 : memref<640x128xf32, #tpu.memory_space<hbm>>) target_semaphore(%run_scoped3A : memref<!tpu.dma_semaphore, #tpu.memory_space<semaphore_mem>>)
      %dma_wait3A = arith.constant 0 : i32
      %dma_wait3A_40 = tpu.memref_slice %arg6[%add3A_13, %dma_wait3A] : memref<20480x128xf32, #tpu.memory_space<hbm>> -> memref<640x128xf32, #tpu.memory_space<hbm>>
      %dma_wait3A_41 = arith.constant 0 : i32
      %dma_wait3A_42 = tpu.memref_slice %arg8[%mul3A_0, %dma_wait3A_41] : memref<10240x128xf32, #tpu.memory_space<vmem_shared>> -> memref<640x128xf32, #tpu.memory_space<vmem_shared>>
      tpu.wait_dma2 semaphore(%run_scoped3A : memref<!tpu.dma_semaphore, #tpu.memory_space<semaphore_mem>>) src(%dma_wait3A_42 : memref<640x128xf32, #tpu.memory_space<vmem_shared>>) dst(%dma_wait3A_40 : memref<640x128xf32, #tpu.memory_space<hbm>>)
      tpu.yield
    }) : () -> ()
    "tpu.region"() ({
      %run_scoped3A = tpu.sem_alloc : memref<!tpu.dma_semaphore, #tpu.memory_space<semaphore_mem>>
      %dma_start3A = arith.constant 0 : i32
      %dma_start3A_37 = tpu.memref_slice %arg8[%mul3A_0, %dma_start3A] : memref<10240x128xf32, #tpu.memory_space<vmem_shared>> -> memref<640x128xf32, #tpu.memory_space<vmem_shared>>
      %dma_start3A_38 = arith.constant 0 : i32
      %dma_start3A_39 = tpu.memref_slice %arg5[%mul3A_0, %dma_start3A_38] : memref<10240x128xf32, #tpu.memory_space<hbm>> -> memref<640x128xf32, #tpu.memory_space<hbm>>
      tpu.enqueue_dma source(%dma_start3A_39 : memref<640x128xf32, #tpu.memory_space<hbm>>) target(%dma_start3A_37 : memref<640x128xf32, #tpu.memory_space<vmem_shared>>) target_semaphore(%run_scoped3A : memref<!tpu.dma_semaphore, #tpu.memory_space<semaphore_mem>>)
      %dma_wait3A = arith.constant 0 : i32
      %dma_wait3A_40 = tpu.memref_slice %arg8[%mul3A_0, %dma_wait3A] : memref<10240x128xf32, #tpu.memory_space<vmem_shared>> -> memref<640x128xf32, #tpu.memory_space<vmem_shared>>
      %dma_wait3A_41 = arith.constant 0 : i32
      %dma_wait3A_42 = tpu.memref_slice %arg5[%mul3A_0, %dma_wait3A_41] : memref<10240x128xf32, #tpu.memory_space<hbm>> -> memref<640x128xf32, #tpu.memory_space<hbm>>
      tpu.wait_dma2 semaphore(%run_scoped3A : memref<!tpu.dma_semaphore, #tpu.memory_space<semaphore_mem>>) src(%dma_wait3A_42 : memref<640x128xf32, #tpu.memory_space<hbm>>) dst(%dma_wait3A_40 : memref<640x128xf32, #tpu.memory_space<vmem_shared>>)
      tpu.yield
    }) : () -> ()
    %broadcast_in_dim3A = arith.constant 1.000000e+00 : f32
    %broadcast_in_dim3A_14 = vector.broadcast %broadcast_in_dim3A : f32 to vector<16xf32>
    %scan3A_15 = arith.constant 0 : i32
    %scan3A_16 = arith.constant 0 : i32
    %scan3A_17 = arith.constant 120 : i32
    %scan3A_18 = arith.addi %scan3A_16, %scan3A_17 : i32
    %scan3A_19 = arith.constant 1 : i32
    scf.for %scan3A_37 = %scan3A_16 to %scan3A_18 step %scan3A_19  : i32 {
      %swap3A = arith.index_cast %scan3A_37 : i32 to index
      %swap3A_38 = arith.constant 0 : index
      %swap3A_39 = tpu.vector_load %arg15[%swap3A, %swap3A_38] {strides = array<i32>} : memref<120x128xf32, #tpu.memory_space<vmem>>, vector<1x16xf32>,
      %swap3A_40 = vector.shape_cast %swap3A_39 : vector<1x16xf32> to vector<16xf32>
      %swap3A_41 = vector.shape_cast %broadcast_in_dim3A_14 : vector<16xf32> to vector<1x16xf32>
      tpu.vector_store %arg15[%swap3A, %swap3A_38], %swap3A_41 {strides = array<i32>} : memref<120x128xf32, #tpu.memory_space<vmem>>, vector<1x16xf32>,
      %swap3A_42 = arith.index_cast %scan3A_37 : i32 to index
      %swap3A_43 = arith.constant 16 : index
      %swap3A_44 = tpu.vector_load %arg15[%swap3A_42, %swap3A_43] {strides = array<i32>} : memref<120x128xf32, #tpu.memory_space<vmem>>, vector<1x16xf32>,
      %swap3A_45 = vector.shape_cast %swap3A_44 : vector<1x16xf32> to vector<16xf32>
      %swap3A_46 = vector.shape_cast %broadcast_in_dim3A_14 : vector<16xf32> to vector<1x16xf32>
      tpu.vector_store %arg15[%swap3A_42, %swap3A_43], %swap3A_46 {strides = array<i32>} : memref<120x128xf32, #tpu.memory_space<vmem>>, vector<1x16xf32>,
      %swap3A_47 = arith.index_cast %scan3A_37 : i32 to index
      %swap3A_48 = arith.constant 32 : index
      %swap3A_49 = tpu.vector_load %arg15[%swap3A_47, %swap3A_48] {strides = array<i32>} : memref<120x128xf32, #tpu.memory_space<vmem>>, vector<1x16xf32>,
      %swap3A_50 = vector.shape_cast %swap3A_49 : vector<1x16xf32> to vector<16xf32>
      %swap3A_51 = vector.shape_cast %broadcast_in_dim3A_14 : vector<16xf32> to vector<1x16xf32>
      tpu.vector_store %arg15[%swap3A_47, %swap3A_48], %swap3A_51 {strides = array<i32>} : memref<120x128xf32, #tpu.memory_space<vmem>>, vector<1x16xf32>,
      %swap3A_52 = arith.index_cast %scan3A_37 : i32 to index
      %swap3A_53 = arith.constant 48 : index
      %swap3A_54 = tpu.vector_load %arg15[%swap3A_52, %swap3A_53] {strides = array<i32>} : memref<120x128xf32, #tpu.memory_space<vmem>>, vector<1x16xf32>,
      %swap3A_55 = vector.shape_cast %swap3A_54 : vector<1x16xf32> to vector<16xf32>
      %swap3A_56 = vector.shape_cast %broadcast_in_dim3A_14 : vector<16xf32> to vector<1x16xf32>
      tpu.vector_store %arg15[%swap3A_52, %swap3A_53], %swap3A_56 {strides = array<i32>} : memref<120x128xf32, #tpu.memory_space<vmem>>, vector<1x16xf32>,
      %swap3A_57 = arith.index_cast %scan3A_37 : i32 to index
      %swap3A_58 = arith.constant 64 : index
      %swap3A_59 = tpu.vector_load %arg15[%swap3A_57, %swap3A_58] {strides = array<i32>} : memref<120x128xf32, #tpu.memory_space<vmem>>, vector<1x16xf32>,
      %swap3A_60 = vector.shape_cast %swap3A_59 : vector<1x16xf32> to vector<16xf32>
      %swap3A_61 = vector.shape_cast %broadcast_in_dim3A_14 : vector<16xf32> to vector<1x16xf32>
      tpu.vector_store %arg15[%swap3A_57, %swap3A_58], %swap3A_61 {strides = array<i32>} : memref<120x128xf32, #tpu.memory_space<vmem>>, vector<1x16xf32>,
      %swap3A_62 = arith.index_cast %scan3A_37 : i32 to index
      %swap3A_63 = arith.constant 80 : index
      %swap3A_64 = tpu.vector_load %arg15[%swap3A_62, %swap3A_63] {strides = array<i32>} : memref<120x128xf32, #tpu.memory_space<vmem>>, vector<1x16xf32>,
      %swap3A_65 = vector.shape_cast %swap3A_64 : vector<1x16xf32> to vector<16xf32>
      %swap3A_66 = vector.shape_cast %broadcast_in_dim3A_14 : vector<16xf32> to vector<1x16xf32>
      tpu.vector_store %arg15[%swap3A_62, %swap3A_63], %swap3A_66 {strides = array<i32>} : memref<120x128xf32, #tpu.memory_space<vmem>>, vector<1x16xf32>,
      %swap3A_67 = arith.index_cast %scan3A_37 : i32 to index
      %swap3A_68 = arith.constant 96 : index
      %swap3A_69 = tpu.vector_load %arg15[%swap3A_67, %swap3A_68] {strides = array<i32>} : memref<120x128xf32, #tpu.memory_space<vmem>>, vector<1x16xf32>,
      %swap3A_70 = vector.shape_cast %swap3A_69 : vector<1x16xf32> to vector<16xf32>
      %swap3A_71 = vector.shape_cast %broadcast_in_dim3A_14 : vector<16xf32> to vector<1x16xf32>
      tpu.vector_store %arg15[%swap3A_67, %swap3A_68], %swap3A_71 {strides = array<i32>} : memref<120x128xf32, #tpu.memory_space<vmem>>, vector<1x16xf32>,
      %swap3A_72 = arith.index_cast %scan3A_37 : i32 to index
      %swap3A_73 = arith.constant 112 : index
      %swap3A_74 = tpu.vector_load %arg15[%swap3A_72, %swap3A_73] {strides = array<i32>} : memref<120x128xf32, #tpu.memory_space<vmem>>, vector<1x16xf32>,
      %swap3A_75 = vector.shape_cast %swap3A_74 : vector<1x16xf32> to vector<16xf32>
      %swap3A_76 = vector.shape_cast %broadcast_in_dim3A_14 : vector<16xf32> to vector<1x16xf32>
      tpu.vector_store %arg15[%swap3A_72, %swap3A_73], %swap3A_76 {strides = array<i32>} : memref<120x128xf32, #tpu.memory_space<vmem>>, vector<1x16xf32>,
    }
    %scan3A_20 = arith.constant 120 : i32
    %barrier3A_21 = arith.constant 0 : index
    tpu.barrier barrier_id(%barrier3A_21)
    %mul3A_22 = arith.constant 80640 : i32
    %mul3A_23 = arith.muli %arg0, %mul3A_22 : i32
    %mul3A_24 = arith.constant 5040 : i32
    %mul3A_25 = arith.muli %arg1, %mul3A_24 : i32
    %add3A_26 = arith.addi %mul3A_23, %mul3A_25 : i32
    %scan3A_27 = arith.constant 0 : i32
    %scan3A_28 = arith.constant 0 : i32
    %scan3A_29 = arith.constant 14 : i32
    %scan3A_30 = arith.addi %scan3A_28, %scan3A_29 : i32
    %scan3A_31 = arith.constant 1 : i32
    scf.for %scan3A_37 = %scan3A_28 to %scan3A_30 step %scan3A_31  : i32 {
      %mul3A_38 = arith.constant 3 : i32
      %mul3A_39 = arith.muli %scan3A_37, %mul3A_38 : i32
      %add3A_40 = arith.constant 0 : i32
      %add3A_41 = arith.addi %mul3A_39, %add3A_40 : i32
      %mul3A_42 = arith.constant 120 : i32
      %mul3A_43 = arith.muli %add3A_41, %mul3A_42 : i32
      %add3A_44 = arith.addi %add3A_26, %mul3A_43 : i32
      %mul3A_45 = arith.constant 3 : i32
      %mul3A_46 = arith.muli %scan3A_37, %mul3A_45 : i32
      %add3A_47 = arith.constant 1 : i32
      %add3A_48 = arith.addi %mul3A_46, %add3A_47 : i32
      %mul3A_49 = arith.constant 120 : i32
      %mul3A_50 = arith.muli %add3A_48, %mul3A_49 : i32
      %add3A_51 = arith.addi %add3A_26, %mul3A_50 : i32
      %mul3A_52 = arith.constant 3 : i32
      %mul3A_53 = arith.muli %scan3A_37, %mul3A_52 : i32
      %add3A_54 = arith.constant 2 : i32
      %add3A_55 = arith.addi %mul3A_53, %add3A_54 : i32
      %mul3A_56 = arith.constant 120 : i32
      %mul3A_57 = arith.muli %add3A_55, %mul3A_56 : i32
      %add3A_58 = arith.addi %add3A_26, %mul3A_57 : i32
      %dma_start3A = tpu.memref_slice %arg4[%add3A_44] : memref<322560xi32, #tpu.memory_space<hbm>> -> memref<120xi32, #tpu.memory_space<hbm>>
      %dma_start3A_59 = tpu.memref_slice %arg4[%add3A_44] : memref<322560xi32, #tpu.memory_space<hbm>> -> memref<120xi32, #tpu.memory_space<hbm>>
      tpu.enqueue_dma source(%dma_start3A_59 : memref<120xi32, #tpu.memory_space<hbm>>) target(%arg12 : memref<120xi32, #tpu.memory_space<vmem>>) target_semaphore(%arg21 : memref<!tpu.dma_semaphore, #tpu.memory_space<semaphore_mem>>)
      %dma_start3A_60 = tpu.memref_slice %arg4[%add3A_51] : memref<322560xi32, #tpu.memory_space<hbm>> -> memref<120xi32, #tpu.memory_space<hbm>>
      %dma_start3A_61 = tpu.memref_slice %arg4[%add3A_51] : memref<322560xi32, #tpu.memory_space<hbm>> -> memref<120xi32, #tpu.memory_space<hbm>>
      tpu.enqueue_dma source(%dma_start3A_61 : memref<120xi32, #tpu.memory_space<hbm>>) target(%arg13 : memref<120xi32, #tpu.memory_space<vmem>>) target_semaphore(%arg22 : memref<!tpu.dma_semaphore, #tpu.memory_space<semaphore_mem>>)
      %dma_start3A_62 = tpu.memref_slice %arg4[%add3A_58] : memref<322560xi32, #tpu.memory_space<hbm>> -> memref<120xi32, #tpu.memory_space<hbm>>
      %dma_start3A_63 = tpu.memref_slice %arg4[%add3A_58] : memref<322560xi32, #tpu.memory_space<hbm>> -> memref<120xi32, #tpu.memory_space<hbm>>
      tpu.enqueue_dma source(%dma_start3A_63 : memref<120xi32, #tpu.memory_space<hbm>>) target(%arg14 : memref<120xi32, #tpu.memory_space<vmem>>) target_semaphore(%arg23 : memref<!tpu.dma_semaphore, #tpu.memory_space<semaphore_mem>>)
      %dma_wait3A = tpu.memref_slice %arg4[%add3A_44] : memref<322560xi32, #tpu.memory_space<hbm>> -> memref<120xi32, #tpu.memory_space<hbm>>
      %dma_wait3A_64 = tpu.memref_slice %arg4[%add3A_44] : memref<322560xi32, #tpu.memory_space<hbm>> -> memref<120xi32, #tpu.memory_space<hbm>>
      tpu.wait_dma2 semaphore(%arg21 : memref<!tpu.dma_semaphore, #tpu.memory_space<semaphore_mem>>) src(%dma_wait3A_64 : memref<120xi32, #tpu.memory_space<hbm>>) dst(%arg12 : memref<120xi32, #tpu.memory_space<vmem>>)
      %dma_start3A_65 = arith.constant 0 : i32
      %dma_start3A_66 = arith.constant 0 : i32
      %dma_start3A_67 = tpu.memref_slice %arg8[%dma_start3A_65, %dma_start3A_66] : memref<10240x128xf32, #tpu.memory_space<vmem_shared>> -> memref<10240x128xf32, #tpu.memory_space<vmem_shared>>
      tpu.enqueue_indirect_dma source(%arg15 : memref<120x128xf32, #tpu.memory_space<vmem>>) target(%dma_start3A_67 : memref<10240x128xf32, #tpu.memory_space<vmem_shared>>) offsets(%arg12 : memref<120xi32, #tpu.memory_space<vmem>>) semaphore(%arg27 : memref<!tpu.dma_semaphore, #tpu.memory_space<semaphore_mem>>) {add = true}
      %dma_wait3A_68 = tpu.memref_slice %arg4[%add3A_51] : memref<322560xi32, #tpu.memory_space<hbm>> -> memref<120xi32, #tpu.memory_space<hbm>>
      %dma_wait3A_69 = tpu.memref_slice %arg4[%add3A_51] : memref<322560xi32, #tpu.memory_space<hbm>> -> memref<120xi32, #tpu.memory_space<hbm>>
      tpu.wait_dma2 semaphore(%arg22 : memref<!tpu.dma_semaphore, #tpu.memory_space<semaphore_mem>>) src(%dma_wait3A_69 : memref<120xi32, #tpu.memory_space<hbm>>) dst(%arg13 : memref<120xi32, #tpu.memory_space<vmem>>)
      %dma_start3A_70 = arith.constant 0 : i32
      %dma_start3A_71 = arith.constant 0 : i32
      %dma_start3A_72 = tpu.memref_slice %arg8[%dma_start3A_70, %dma_start3A_71] : memref<10240x128xf32, #tpu.memory_space<vmem_shared>> -> memref<10240x128xf32, #tpu.memory_space<vmem_shared>>
      tpu.enqueue_indirect_dma source(%arg15 : memref<120x128xf32, #tpu.memory_space<vmem>>) target(%dma_start3A_72 : memref<10240x128xf32, #tpu.memory_space<vmem_shared>>) offsets(%arg13 : memref<120xi32, #tpu.memory_space<vmem>>) semaphore(%arg28 : memref<!tpu.dma_semaphore, #tpu.memory_space<semaphore_mem>>) {add = true}
      %dma_wait3A_73 = tpu.memref_slice %arg4[%add3A_58] : memref<322560xi32, #tpu.memory_space<hbm>> -> memref<120xi32, #tpu.memory_space<hbm>>
      %dma_wait3A_74 = tpu.memref_slice %arg4[%add3A_58] : memref<322560xi32, #tpu.memory_space<hbm>> -> memref<120xi32, #tpu.memory_space<hbm>>
      tpu.wait_dma2 semaphore(%arg23 : memref<!tpu.dma_semaphore, #tpu.memory_space<semaphore_mem>>) src(%dma_wait3A_74 : memref<120xi32, #tpu.memory_space<hbm>>) dst(%arg14 : memref<120xi32, #tpu.memory_space<vmem>>)
      %dma_start3A_75 = arith.constant 0 : i32
      %dma_start3A_76 = arith.constant 0 : i32
      %dma_start3A_77 = tpu.memref_slice %arg8[%dma_start3A_75, %dma_start3A_76] : memref<10240x128xf32, #tpu.memory_space<vmem_shared>> -> memref<10240x128xf32, #tpu.memory_space<vmem_shared>>
      tpu.enqueue_indirect_dma source(%arg15 : memref<120x128xf32, #tpu.memory_space<vmem>>) target(%dma_start3A_77 : memref<10240x128xf32, #tpu.memory_space<vmem_shared>>) offsets(%arg14 : memref<120xi32, #tpu.memory_space<vmem>>) semaphore(%arg29 : memref<!tpu.dma_semaphore, #tpu.memory_space<semaphore_mem>>) {add = true}
      %dma_wait3A_78 = arith.constant 0 : i32
      %dma_wait3A_79 = arith.constant 0 : i32
      %dma_wait3A_80 = tpu.memref_slice %arg8[%dma_wait3A_78, %dma_wait3A_79] : memref<10240x128xf32, #tpu.memory_space<vmem_shared>> -> memref<10240x128xf32, #tpu.memory_space<vmem_shared>>
      tpu.wait_indirect_dma semaphore(%arg27 : memref<!tpu.dma_semaphore, #tpu.memory_space<semaphore_mem>>) src(%arg15 : memref<120x128xf32, #tpu.memory_space<vmem>>) dst(%dma_wait3A_80 : memref<10240x128xf32, #tpu.memory_space<vmem_shared>>)
      %dma_wait3A_81 = arith.constant 0 : i32
      %dma_wait3A_82 = arith.constant 0 : i32
      %dma_wait3A_83 = tpu.memref_slice %arg8[%dma_wait3A_81, %dma_wait3A_82] : memref<10240x128xf32, #tpu.memory_space<vmem_shared>> -> memref<10240x128xf32, #tpu.memory_space<vmem_shared>>
      tpu.wait_indirect_dma semaphore(%arg28 : memref<!tpu.dma_semaphore, #tpu.memory_space<semaphore_mem>>) src(%arg15 : memref<120x128xf32, #tpu.memory_space<vmem>>) dst(%dma_wait3A_83 : memref<10240x128xf32, #tpu.memory_space<vmem_shared>>)
      %dma_wait3A_84 = arith.constant 0 : i32
      %dma_wait3A_85 = arith.constant 0 : i32
      %dma_wait3A_86 = tpu.memref_slice %arg8[%dma_wait3A_84, %dma_wait3A_85] : memref<10240x128xf32, #tpu.memory_space<vmem_shared>> -> memref<10240x128xf32, #tpu.memory_space<vmem_shared>>
      tpu.wait_indirect_dma semaphore(%arg29 : memref<!tpu.dma_semaphore, #tpu.memory_space<semaphore_mem>>) src(%arg15 : memref<120x128xf32, #tpu.memory_space<vmem>>) dst(%dma_wait3A_86 : memref<10240x128xf32, #tpu.memory_space<vmem_shared>>)
    }
    %scan3A_32 = arith.constant 14 : i32
    %barrier3A_33 = arith.constant 0 : index
    tpu.barrier barrier_id(%barrier3A_33)
    %mul3A_34 = arith.constant 10240 : i32
    %mul3A_35 = arith.muli %arg0, %mul3A_34 : i32
    %add3A_36 = arith.addi %mul3A_35, %mul3A_0 : i32
    "tpu.region"() ({
      %run_scoped3A = tpu.sem_alloc : memref<!tpu.dma_semaphore, #tpu.memory_space<semaphore_mem>>
      %dma_start3A = arith.constant 0 : i32
      %dma_start3A_37 = tpu.memref_slice %arg7[%add3A_36, %dma_start3A] : memref<20480x128xf32, #tpu.memory_space<hbm>> -> memref<640x128xf32, #tpu.memory_space<hbm>>
      %dma_start3A_38 = arith.constant 0 : i32
      %dma_start3A_39 = tpu.memref_slice %arg8[%mul3A_0, %dma_start3A_38] : memref<10240x128xf32, #tpu.memory_space<vmem_shared>> -> memref<640x128xf32, #tpu.memory_space<vmem_shared>>
      tpu.enqueue_dma source(%dma_start3A_39 : memref<640x128xf32, #tpu.memory_space<vmem_shared>>) target(%dma_start3A_37 : memref<640x128xf32, #tpu.memory_space<hbm>>) target_semaphore(%run_scoped3A : memref<!tpu.dma_semaphore, #tpu.memory_space<semaphore_mem>>)
      %dma_wait3A = arith.constant 0 : i32
      %dma_wait3A_40 = tpu.memref_slice %arg7[%add3A_36, %dma_wait3A] : memref<20480x128xf32, #tpu.memory_space<hbm>> -> memref<640x128xf32, #tpu.memory_space<hbm>>
      %dma_wait3A_41 = arith.constant 0 : i32
      %dma_wait3A_42 = tpu.memref_slice %arg8[%mul3A_0, %dma_wait3A_41] : memref<10240x128xf32, #tpu.memory_space<vmem_shared>> -> memref<640x128xf32, #tpu.memory_space<vmem_shared>>
      tpu.wait_dma2 semaphore(%run_scoped3A : memref<!tpu.dma_semaphore, #tpu.memory_space<semaphore_mem>>) src(%dma_wait3A_42 : memref<640x128xf32, #tpu.memory_space<vmem_shared>>) dst(%dma_wait3A_40 : memref<640x128xf32, #tpu.memory_space<hbm>>)
      tpu.yield
    }) : () -> ()
    return
  }
}

module attributes {stable_mosaic.version = 14 : i64} {
  func.func @_mm2_body(%arg0: i32, %arg1: i32, %arg2: memref<1024x256xf32, #tpu.memory_space<vmem>>, %arg3: memref<256x128xf32, #tpu.memory_space<vmem>>, %arg4: memref<256x128xf32, #tpu.memory_space<vmem>>, %arg5: memref<1024x128xf32, #tpu.memory_space<vmem>>, %arg6: memref<1024x128xf32, #tpu.memory_space<vmem>>) attributes {dimension_semantics = [#tpu.dimension_semantics<arbitrary>, #tpu.dimension_semantics<arbitrary>], iteration_bounds = array<i64: 10, 2>, scalar_prefetch = 0 : i64, scratch_operands = 0 : i64, tpu.core_type = #tpu.core_type<tc>, window_params = [{transform_indices = @transform_0, window_bounds = array<i64: 1024, 256>}, {transform_indices = @transform_1, window_bounds = array<i64: 256, 128>}, {transform_indices = @transform_2, window_bounds = array<i64: 256, 128>}, {transform_indices = @transform_3, window_bounds = array<i64: 1024, 128>}, {transform_indices = @transform_4, window_bounds = array<i64: 1024, 128>}]} {
    %get3A = arith.constant 0 : index
    %get3A_0 = arith.constant 0 : index
    %get3A_1 = vector.load %arg2[%get3A, %get3A_0] : memref<1024x256xf32, #tpu.memory_space<vmem>>, vector<1024x256xf32>
    %get3A_2 = arith.constant 0 : index
    %get3A_3 = arith.constant 0 : index
    %get3A_4 = vector.load %arg3[%get3A_2, %get3A_3] : memref<256x128xf32, #tpu.memory_space<vmem>>, vector<256x128xf32>
    %dot_general3A = arith.constant dense<0.000000e+00> : vector<1024x128xf32>
    %dot_general3A_5 = tpu.matmul %get3A_1, %get3A_4, %dot_general3A {dimension_numbers = #tpu.dot_dimension_numbers<[1], [0], [0], [1], [0, 0, 1, 1], [], []>, transpose_lhs_hint = false} : vector<1024x256xf32>, vector<256x128xf32>, vector<1024x128xf32> -> vector<1024x128xf32>
    %swap3A = arith.constant 0 : index
    %swap3A_6 = arith.constant 0 : index
    %swap3A_7 = vector.load %arg5[%swap3A, %swap3A_6] : memref<1024x128xf32, #tpu.memory_space<vmem>>, vector<1024x128xf32>
    tpu.vector_store %arg5[%swap3A, %swap3A_6], %dot_general3A_5 {strides = array<i32>} : memref<1024x128xf32, #tpu.memory_space<vmem>>, vector<1024x128xf32>,
    %get3A_8 = arith.constant 0 : index
    %get3A_9 = arith.constant 0 : index
    %get3A_10 = vector.load %arg4[%get3A_8, %get3A_9] : memref<256x128xf32, #tpu.memory_space<vmem>>, vector<256x128xf32>
    %dot_general3A_11 = arith.constant dense<0.000000e+00> : vector<1024x128xf32>
    %dot_general3A_12 = tpu.matmul %get3A_1, %get3A_10, %dot_general3A_11 {dimension_numbers = #tpu.dot_dimension_numbers<[1], [0], [0], [1], [0, 0, 1, 1], [], []>, transpose_lhs_hint = false} : vector<1024x256xf32>, vector<256x128xf32>, vector<1024x128xf32> -> vector<1024x128xf32>
    %swap3A_13 = arith.constant 0 : index
    %swap3A_14 = arith.constant 0 : index
    %swap3A_15 = vector.load %arg6[%swap3A_13, %swap3A_14] : memref<1024x128xf32, #tpu.memory_space<vmem>>, vector<1024x128xf32>
    tpu.vector_store %arg6[%swap3A_13, %swap3A_14], %dot_general3A_12 {strides = array<i32>} : memref<1024x128xf32, #tpu.memory_space<vmem>>, vector<1024x128xf32>,
    return
  }
  func.func @transform_0(%arg0: i32, %arg1: i32) -> (i32, i32) {
    %c0_i32 = arith.constant 0 : i32
    %c0_i32_0 = arith.constant 0 : i32
    return %arg0, %c0_i32 : i32, i32
  }
  func.func @transform_1(%arg0: i32, %arg1: i32) -> (i32, i32) {
    %c0_i32 = arith.constant 0 : i32
    %c0_i32_0 = arith.constant 0 : i32
    return %c0_i32, %arg1 : i32, i32
  }
  func.func @transform_2(%arg0: i32, %arg1: i32) -> (i32, i32) {
    %c0_i32 = arith.constant 0 : i32
    %c0_i32_0 = arith.constant 0 : i32
    return %c0_i32, %arg1 : i32, i32
  }
  func.func @transform_3(%arg0: i32, %arg1: i32) -> (i32, i32) {
    %mul3A = arith.constant 10 : i32
    %mul3A_0 = arith.muli %arg1, %mul3A : i32
    %add3A = arith.addi %arg0, %mul3A_0 : i32
    %c0_i32 = arith.constant 0 : i32
    %c0_i32_1 = arith.constant 0 : i32
    return %add3A, %c0_i32 : i32, i32
  }
  func.func @transform_4(%arg0: i32, %arg1: i32) -> (i32, i32) {
    %c0_i32 = arith.constant 0 : i32
    return %arg0, %arg1 : i32, i32
  }
}

module attributes {stable_mosaic.version = 14 : i64} {
  func.func @_fuse1_body(%arg0: i32, %arg1: memref<1024x128xf32, #tpu.memory_space<vmem>>, %arg2: memref<1024x128xf32, #tpu.memory_space<vmem>>, %arg3: memref<1024x128xf32, #tpu.memory_space<vmem>>, %arg4: memref<1024x128xf32, #tpu.memory_space<vmem>>, %arg5: memref<1024x256xf32, #tpu.memory_space<vmem>>, %arg6: memref<256x128xf32, #tpu.memory_space<vmem>>, %arg7: memref<256x128xf32, #tpu.memory_space<vmem>>, %arg8: memref<1x256xf32, #tpu.memory_space<vmem>>, %arg9: memref<1024x128xf32, #tpu.memory_space<vmem>>, %arg10: memref<1024x128xf32, #tpu.memory_space<vmem>>) attributes {dimension_semantics = [#tpu.dimension_semantics<arbitrary>], iteration_bounds = array<i64: 10>, scalar_prefetch = 0 : i64, scratch_operands = 0 : i64, tpu.core_type = #tpu.core_type<tc>, window_params = [{transform_indices = @transform_0, window_bounds = array<i64: 1024, 128>}, {transform_indices = @transform_1, window_bounds = array<i64: 1024, 128>}, {transform_indices = @transform_2, window_bounds = array<i64: 1024, 128>}, {transform_indices = @transform_3, window_bounds = array<i64: 1024, 128>}, {transform_indices = @transform_4, window_bounds = array<i64: 1024, 256>}, {pipeline_mode = #tpu.pipeline_mode<synchronous>, transform_indices = @transform_5, window_bounds = array<i64: 256, 128>}, {pipeline_mode = #tpu.pipeline_mode<synchronous>, transform_indices = @transform_6, window_bounds = array<i64: 256, 128>}, {pipeline_mode = #tpu.pipeline_mode<synchronous>, transform_indices = @transform_7, window_bounds = array<i64: 1, 256>}, {transform_indices = @transform_8, window_bounds = array<i64: 1024, 128>}, {transform_indices = @transform_9, window_bounds = array<i64: 1024, 128>}]} {
    %get3A = arith.constant 0 : index
    %get3A_0 = arith.constant 0 : index
    %get3A_1 = vector.load %arg3[%get3A, %get3A_0] : memref<1024x128xf32, #tpu.memory_space<vmem>>, vector<1024x1xf32>
    %get3A_2 = arith.constant 0 : index
    %get3A_3 = arith.constant 0 : index
    %get3A_4 = vector.load %arg4[%get3A_2, %get3A_3] : memref<1024x128xf32, #tpu.memory_space<vmem>>, vector<1024x1xf32>
    %add3A = arith.addf %get3A_1, %get3A_4 : vector<1024x1xf32>
    %jit3A = arith.constant 1.000000e+00 : f32
    %max3A = vector.broadcast %jit3A : f32 to vector<1024x1xf32>
    %max3A_5 = arith.maximumf %max3A, %add3A : vector<1024x1xf32>
    %get3A_6 = arith.constant 0 : index
    %get3A_7 = arith.constant 0 : index
    %get3A_8 = vector.load %arg1[%get3A_6, %get3A_7] : memref<1024x128xf32, #tpu.memory_space<vmem>>, vector<1024x128xf32>
    %div3A = vector.broadcast %max3A_5 : vector<1024x1xf32> to vector<1024x128xf32>
    %div3A_9 = arith.divf %get3A_8, %div3A : vector<1024x128xf32>
    %get3A_10 = arith.constant 0 : index
    %get3A_11 = arith.constant 0 : index
    %get3A_12 = vector.load %arg2[%get3A_10, %get3A_11] : memref<1024x128xf32, #tpu.memory_space<vmem>>, vector<1024x128xf32>
    %div3A_13 = vector.broadcast %max3A_5 : vector<1024x1xf32> to vector<1024x128xf32>
    %div3A_14 = arith.divf %get3A_12, %div3A_13 : vector<1024x128xf32>
    %concatenate3A = tpu.concatenate %div3A_9, %div3A_14 in 1 : vector<1024x128xf32>, vector<1024x128xf32> -> vector<1024x256xf32>
    %get3A_15 = arith.constant 0 : index
    %get3A_16 = arith.constant 0 : index
    %get3A_17 = vector.load %arg5[%get3A_15, %get3A_16] : memref<1024x256xf32, #tpu.memory_space<vmem>>, vector<1024x256xf32>
    %add3A_18 = arith.addf %concatenate3A, %get3A_17 : vector<1024x256xf32>
    %get3A_19 = arith.constant 0 : index
    %get3A_20 = arith.constant 0 : index
    %get3A_21 = vector.load %arg8[%get3A_19, %get3A_20] : memref<1x256xf32, #tpu.memory_space<vmem>>, vector<1x256xf32>
    %add3A_22 = vector.broadcast %get3A_21 : vector<1x256xf32> to vector<1024x256xf32>
    %add3A_23 = arith.addf %add3A_18, %add3A_22 : vector<1024x256xf32>
    %max3A_24 = arith.constant 0.000000e+00 : f32
    %max3A_25 = vector.broadcast %max3A_24 : f32 to vector<1024x256xf32>
    %max3A_26 = arith.maximumf %add3A_23, %max3A_25 : vector<1024x256xf32>
    %get3A_27 = arith.constant 0 : index
    %get3A_28 = arith.constant 0 : index
    %get3A_29 = vector.load %arg6[%get3A_27, %get3A_28] : memref<256x128xf32, #tpu.memory_space<vmem>>, vector<256x128xf32>
    %dot_general3A = arith.constant dense<0.000000e+00> : vector<1024x128xf32>
    %dot_general3A_30 = tpu.matmul %max3A_26, %get3A_29, %dot_general3A {dimension_numbers = #tpu.dot_dimension_numbers<[1], [0], [0], [1], [0, 0, 1, 1], [], []>, transpose_lhs_hint = false} : vector<1024x256xf32>, vector<256x128xf32>, vector<1024x128xf32> -> vector<1024x128xf32>
    %swap3A = arith.constant 0 : index
    %swap3A_31 = arith.constant 0 : index
    %swap3A_32 = vector.load %arg9[%swap3A, %swap3A_31] : memref<1024x128xf32, #tpu.memory_space<vmem>>, vector<1024x128xf32>
    tpu.vector_store %arg9[%swap3A, %swap3A_31], %dot_general3A_30 {strides = array<i32>} : memref<1024x128xf32, #tpu.memory_space<vmem>>, vector<1024x128xf32>,
    %get3A_33 = arith.constant 0 : index
    %get3A_34 = arith.constant 0 : index
    %get3A_35 = vector.load %arg7[%get3A_33, %get3A_34] : memref<256x128xf32, #tpu.memory_space<vmem>>, vector<256x128xf32>
    %dot_general3A_36 = arith.constant dense<0.000000e+00> : vector<1024x128xf32>
    %dot_general3A_37 = tpu.matmul %max3A_26, %get3A_35, %dot_general3A_36 {dimension_numbers = #tpu.dot_dimension_numbers<[1], [0], [0], [1], [0, 0, 1, 1], [], []>, transpose_lhs_hint = false} : vector<1024x256xf32>, vector<256x128xf32>, vector<1024x128xf32> -> vector<1024x128xf32>
    %swap3A_38 = arith.constant 0 : index
    %swap3A_39 = arith.constant 0 : index
    %swap3A_40 = vector.load %arg10[%swap3A_38, %swap3A_39] : memref<1024x128xf32, #tpu.memory_space<vmem>>, vector<1024x128xf32>
    tpu.vector_store %arg10[%swap3A_38, %swap3A_39], %dot_general3A_37 {strides = array<i32>} : memref<1024x128xf32, #tpu.memory_space<vmem>>, vector<1024x128xf32>,
    return
  }
  func.func @transform_0(%arg0: i32) -> (i32, i32) {
    %c0_i32 = arith.constant 0 : i32
    %c0_i32_0 = arith.constant 0 : i32
    return %arg0, %c0_i32 : i32, i32
  }
  func.func @transform_1(%arg0: i32) -> (i32, i32) {
    %add3A = arith.constant 10 : i32
    %add3A_0 = arith.addi %arg0, %add3A : i32
    %c0_i32 = arith.constant 0 : i32
    %c0_i32_1 = arith.constant 0 : i32
    return %add3A_0, %c0_i32 : i32, i32
  }
  func.func @transform_2(%arg0: i32) -> (i32, i32) {
    %c0_i32 = arith.constant 0 : i32
    %c0_i32_0 = arith.constant 0 : i32
    return %arg0, %c0_i32 : i32, i32
  }
  func.func @transform_3(%arg0: i32) -> (i32, i32) {
    %add3A = arith.constant 10 : i32
    %add3A_0 = arith.addi %arg0, %add3A : i32
    %c0_i32 = arith.constant 0 : i32
    %c0_i32_1 = arith.constant 0 : i32
    return %add3A_0, %c0_i32 : i32, i32
  }
  func.func @transform_4(%arg0: i32) -> (i32, i32) {
    %c0_i32 = arith.constant 0 : i32
    %c0_i32_0 = arith.constant 0 : i32
    return %arg0, %c0_i32 : i32, i32
  }
  func.func @transform_5(%arg0: i32) -> (i32, i32) {
    %c0_i32 = arith.constant 0 : i32
    %c0_i32_0 = arith.constant 0 : i32
    %c0_i32_1 = arith.constant 0 : i32
    return %c0_i32, %c0_i32_0 : i32, i32
  }
  func.func @transform_6(%arg0: i32) -> (i32, i32) {
    %c0_i32 = arith.constant 0 : i32
    %c0_i32_0 = arith.constant 0 : i32
    %c0_i32_1 = arith.constant 0 : i32
    return %c0_i32, %c0_i32_0 : i32, i32
  }
  func.func @transform_7(%arg0: i32) -> (i32, i32) {
    %c0_i32 = arith.constant 0 : i32
    %c0_i32_0 = arith.constant 0 : i32
    %c0_i32_1 = arith.constant 0 : i32
    return %c0_i32, %c0_i32_0 : i32, i32
  }
  func.func @transform_8(%arg0: i32) -> (i32, i32) {
    %c0_i32 = arith.constant 0 : i32
    %c0_i32_0 = arith.constant 0 : i32
    return %arg0, %c0_i32 : i32, i32
  }
  func.func @transform_9(%arg0: i32) -> (i32, i32) {
    %c0_i32 = arith.constant 0 : i32
    %c0_i32_0 = arith.constant 0 : i32
    return %arg0, %c0_i32 : i32, i32
  }
}

module attributes {stable_mosaic.version = 14 : i64} {
  func.func @_fuse2_body(%arg0: i32, %arg1: memref<1024x128xf32, #tpu.memory_space<vmem>>, %arg2: memref<1024x128xf32, #tpu.memory_space<vmem>>, %arg3: memref<1024x128xf32, #tpu.memory_space<vmem>>, %arg4: memref<1024x128xf32, #tpu.memory_space<vmem>>, %arg5: memref<1024x128xf32, #tpu.memory_space<vmem>>, %arg6: memref<1x128xf32, #tpu.memory_space<vmem>>, %arg7: memref<1024x128xf32, #tpu.memory_space<vmem>>) attributes {dimension_semantics = [#tpu.dimension_semantics<arbitrary>], iteration_bounds = array<i64: 10>, scalar_prefetch = 0 : i64, scratch_operands = 0 : i64, tpu.core_type = #tpu.core_type<tc>, window_params = [{transform_indices = @transform_0, window_bounds = array<i64: 1024, 128>}, {transform_indices = @transform_1, window_bounds = array<i64: 1024, 128>}, {transform_indices = @transform_2, window_bounds = array<i64: 1024, 128>}, {transform_indices = @transform_3, window_bounds = array<i64: 1024, 128>}, {transform_indices = @transform_4, window_bounds = array<i64: 1024, 128>}, {pipeline_mode = #tpu.pipeline_mode<synchronous>, transform_indices = @transform_5, window_bounds = array<i64: 1, 128>}, {transform_indices = @transform_6, window_bounds = array<i64: 1024, 128>}]} {
    %get3A = arith.constant 0 : index
    %get3A_0 = arith.constant 0 : index
    %get3A_1 = vector.load %arg3[%get3A, %get3A_0] : memref<1024x128xf32, #tpu.memory_space<vmem>>, vector<1024x1xf32>
    %get3A_2 = arith.constant 0 : index
    %get3A_3 = arith.constant 0 : index
    %get3A_4 = vector.load %arg4[%get3A_2, %get3A_3] : memref<1024x128xf32, #tpu.memory_space<vmem>>, vector<1024x1xf32>
    %add3A = arith.addf %get3A_1, %get3A_4 : vector<1024x1xf32>
    %jit3A = arith.constant 1.000000e+00 : f32
    %max3A = vector.broadcast %jit3A : f32 to vector<1024x1xf32>
    %max3A_5 = arith.maximumf %max3A, %add3A : vector<1024x1xf32>
    %get3A_6 = arith.constant 0 : index
    %get3A_7 = arith.constant 0 : index
    %get3A_8 = vector.load %arg1[%get3A_6, %get3A_7] : memref<1024x128xf32, #tpu.memory_space<vmem>>, vector<1024x128xf32>
    %get3A_9 = arith.constant 0 : index
    %get3A_10 = arith.constant 0 : index
    %get3A_11 = vector.load %arg2[%get3A_9, %get3A_10] : memref<1024x128xf32, #tpu.memory_space<vmem>>, vector<1024x128xf32>
    %add3A_12 = arith.addf %get3A_8, %get3A_11 : vector<1024x128xf32>
    %div3A = vector.broadcast %max3A_5 : vector<1024x1xf32> to vector<1024x128xf32>
    %div3A_13 = arith.divf %add3A_12, %div3A : vector<1024x128xf32>
    %get3A_14 = arith.constant 0 : index
    %get3A_15 = arith.constant 0 : index
    %get3A_16 = vector.load %arg5[%get3A_14, %get3A_15] : memref<1024x128xf32, #tpu.memory_space<vmem>>, vector<1024x128xf32>
    %add3A_17 = arith.addf %div3A_13, %get3A_16 : vector<1024x128xf32>
    %get3A_18 = arith.constant 0 : index
    %get3A_19 = arith.constant 0 : index
    %get3A_20 = vector.load %arg6[%get3A_18, %get3A_19] : memref<1x128xf32, #tpu.memory_space<vmem>>, vector<1x128xf32>
    %add3A_21 = vector.broadcast %get3A_20 : vector<1x128xf32> to vector<1024x128xf32>
    %add3A_22 = arith.addf %add3A_17, %add3A_21 : vector<1024x128xf32>
    %swap3A = arith.constant 0 : index
    %swap3A_23 = arith.constant 0 : index
    %swap3A_24 = vector.load %arg7[%swap3A, %swap3A_23] : memref<1024x128xf32, #tpu.memory_space<vmem>>, vector<1024x128xf32>
    tpu.vector_store %arg7[%swap3A, %swap3A_23], %add3A_22 {strides = array<i32>} : memref<1024x128xf32, #tpu.memory_space<vmem>>, vector<1024x128xf32>,
    return
  }
  func.func @transform_0(%arg0: i32) -> (i32, i32) {
    %c0_i32 = arith.constant 0 : i32
    %c0_i32_0 = arith.constant 0 : i32
    return %arg0, %c0_i32 : i32, i32
  }
  func.func @transform_1(%arg0: i32) -> (i32, i32) {
    %add3A = arith.constant 10 : i32
    %add3A_0 = arith.addi %arg0, %add3A : i32
    %c0_i32 = arith.constant 0 : i32
    %c0_i32_1 = arith.constant 0 : i32
    return %add3A_0, %c0_i32 : i32, i32
  }
  func.func @transform_2(%arg0: i32) -> (i32, i32) {
    %c0_i32 = arith.constant 0 : i32
    %c0_i32_0 = arith.constant 0 : i32
    return %arg0, %c0_i32 : i32, i32
  }
  func.func @transform_3(%arg0: i32) -> (i32, i32) {
    %add3A = arith.constant 10 : i32
    %add3A_0 = arith.addi %arg0, %add3A : i32
    %c0_i32 = arith.constant 0 : i32
    %c0_i32_1 = arith.constant 0 : i32
    return %add3A_0, %c0_i32 : i32, i32
  }
  func.func @transform_4(%arg0: i32) -> (i32, i32) {
    %c0_i32 = arith.constant 0 : i32
    %c0_i32_0 = arith.constant 0 : i32
    return %arg0, %c0_i32 : i32, i32
  }
  func.func @transform_5(%arg0: i32) -> (i32, i32) {
    %c0_i32 = arith.constant 0 : i32
    %c0_i32_0 = arith.constant 0 : i32
    %c0_i32_1 = arith.constant 0 : i32
    return %c0_i32, %c0_i32_0 : i32, i32
  }
  func.func @transform_6(%arg0: i32) -> (i32, i32) {
    %c0_i32 = arith.constant 0 : i32
    %c0_i32_0 = arith.constant 0 : i32
    return %arg0, %c0_i32 : i32, i32
  }
}

</mosaic_0001>

<sc_bundles>
// kernel: kernel.10.cloned.1.call-start
scs
__scs_entry_jumppad:
0x0: {  	(pc) =	sbr.rel $0x88, $3  }
0x1: {  	(tag) =	ssettag $0x0;
	lr =	simm.s32 $0x1  }
0x2: {  	[smem:$0x3F99] =	sst lr;
	_ =	strace $0xD0000000  }
0x3: {  	_ = 	snop  }
0x4: {  	_ = 	snop  }
0x5: {  	_ = 	snop  }
0x6: {  	_ = 	snop  }
0x7: {  	_ = 	snop  }
__scs_overlays_trampoline_lowered:
0x8: {  	[smem:$0x3FA8] =	sst s0  }
0x9: {  	[smem:$0x3FA9] =	sst s1  }
0xa: {  	[smem:$0x3FAA] =	sst s2  }
0xb: {  	[smem:$0x3FAB] =	sst s3  }
0xc: {  	[smem:$0x3FAC] =	sst s4  }
0xd: {  	[smem:$0x3FAD] =	sst s5  }
0xe: {  	[smem:$0x3FAE] =	sst s6  }
0xf: {  	[smem:$0x3FAF] =	sst s7  }
0x10: {  	[smem:$0x3FB0] =	sst s8  }
0x11: {  	[smem:$0x3FB1] =	sst s9;
	s0 =	simm.s32 @!p0 $0x0  }
0x12: {  	s1 =	sld [smem:$0x3F97];
	s0 =	simm.s32 @p0 $0x1  }
0x13: {  	[smem:$0x3FB2] =	sst s0;
	s0 =	simm.s32 @!p1 $0x0  }
0x14: {  	s2 =	sld [smem:$0x3F96];
	s0 =	simm.s32 @p1 $0x1  }
0x15: {  	[smem:$0x3FB3] =	sst s0;
	s0 =	simm.s32 @!p2 $0x0  }
0x16: {  	s3 =	sld [smem:$0x3FDB];
	s0 =	simm.s32 @p2 $0x1  }
0x17: {  	s4 =	simm.s32 $0x1BF5;
	[smem:$0x3FB5] =	sst s0  }
0x18: {  	s0 =	sld [smem:$0x3F98];
	_ =	swait.ge [sflag:s4], $0x0  }
0x19: {  	s7 =	sld [smem:$0x3F99]  }
0x1a: {  	s8 =	sadd.s32 $0xFFFFE003, lr  }
0x1b: {  	s9 =	sadd.s32 $0xFFFFFEF7, lr;
	s5 =	simm.s32 $0xFFFFFFFF;
	p2 =	slt.u32 s8, $0xFFFFF086  }
0x1c: {  	p1 =	slt.u32 s9, $0xF7A;
	s5 =	simm.s32 @!p2 $0x0  }
0x1d: {  	s5 =	simm.s32 @p1 $0x1;
	p0 =	seq.s32 s7, s2  }
0x1e: {  	s7 =	smul.u32 @!p0 $0xF7A, s2;
	p2 =	seq.s32 @!p0 s5, $0x0  }
0x1f: {  	s9 =	smul.u32 $0xF7A, s1;
	s8 =	simm.s32 @!p0 $0x1BF5;
	p2 =	por !p2, p0  }
0x20: {  	[sflag:s8] =	ssyncset.s32 @!p0 $0xFFFFF086;
	s6 =	sadd.s32 @!p0 s3, s7;
	s7 =	simm.s32 @!p0 $0x108  }
0x21: {  	s3 =	sadd.s32 s3, s9;
	s6 =	sadd.s32 @!p0 $0x88, s6;
	s7 =	simm.s32 @p2 $0x1082  }
0x22: {  	[simem:s7], [sflag:s8] =	dma.local @!p0 [hbm:s6], $0xF7A  }
0x23: {  	s9 =	sor.u32 $0xD0000000, s2;
	s6 =	simm.s32 $0x108;
	_ =	swait.ge @!p0 [sflag:s8], $0x0  }
0x24: {  	s3 =	sadd.s32 $0x88, s3;
	s6 =	simm.s32 @!p1 $0x1082;
	[sflag:s4] =	ssyncset.s32 $0xFFFFF086  }
0x25: {  	[simem:s6], [sflag:s4] =	dma.local [hbm:s3], $0xF7A  }
0x26: {  	[smem:$0x3F99] =	sst s1;
	(tag) =	ssettag s2;
	_ =	strace s9  }
0x27: {  	s1 =	sld [smem:$0x3FA9]  }
0x28: {  	s2 =	sld [smem:$0x3FAA]  }
0x29: {  	s4 =	sld [smem:$0x3FAC]  }
0x2a: {  	p0 =	seq.s32 s5, $0x0;
	s5 =	sld [smem:$0x3FAD]  }
0x2b: {  	s6 =	sld [smem:$0x3FAE]  }
0x2c: {  	s7 =	sld [smem:$0x3FAF]  }
0x2d: {  	s3 =	simm.s32 $0x108;
	s8 =	sld [smem:$0x3FB0]  }
0x2e: {  	s3 =	simm.s32 @!p0 $0x1082;
	s9 =	sld [smem:$0x3FB1]  }
0x2f: {  	lr =	sadd.s32 s0, s3;
	s0 =	sld [smem:$0x3FA8]  }
0x30: {  	s3 =	sld [smem:$0x3FAB]  }
0x31: {  	[smem:$0x3FB4] =	sst s10  }
0x32: {  	s10 =	sld [smem:$0x3FB2];
	_ =	sdelay $0x3  }
0x33: {  	p0 =	seq.s32 s10, $0x1;
	s10 =	sld [smem:$0x3FB4];
	_ =	sdelay $0x3  }
0x34: {  	[smem:$0x3FB4] =	sst s10  }
0x35: {  	s10 =	sld [smem:$0x3FB3];
	_ =	sdelay $0x3  }
0x36: {  	p1 =	seq.s32 s10, $0x1;
	s10 =	sld [smem:$0x3FB4];
	_ =	sdelay $0x3  }
0x37: {  	[smem:$0x3FB4] =	sst s10  }
0x38: {  	s10 =	sld [smem:$0x3FB5]  }
0x39: {  	_ = 	snop;
	(pc) =	sbr.ind lr, $3  }
0x3a: {  	_ = 	snop  }
0x3b: {  	_ = 	snop  }
0x3c: {  	p2 =	seq.s32 s10, $0x1;
	s10 =	sld [smem:$0x3FB4]  }
0x3d: {  	_ =	shalt  }
0x3e: {  	_ =	shalt  }
0x3f: {  	_ =	shalt  }
0x40: {  	_ =	shalt  }
0x41: {  	_ =	shalt  }
0x42: {  	_ =	shalt  }
0x43: {  	_ =	shalt  }
0x44: {  	_ =	shalt  }
0x45: {  	_ =	shalt  }
0x46: {  	_ =	shalt  }
0x47: {  	_ =	shalt  }
0x48: {  	_ =	shalt  }
0x49: {  	_ =	shalt  }
0x4a: {  	_ =	shalt  }
0x4b: {  	_ =	shalt  }
0x4c: {  	_ =	shalt  }
0x4d: {  	_ =	shalt  }
0x4e: {  	_ =	shalt  }
0x4f: {  	_ =	shalt  }
0x50: {  	_ =	shalt  }
0x51: {  	_ =	shalt  }
0x52: {  	_ =	shalt  }
0x53: {  	_ =	shalt  }
0x54: {  	_ =	shalt  }
0x55: {  	_ =	shalt  }
0x56: {  	_ =	shalt  }
0x57: {  	_ =	shalt  }
0x58: {  	_ =	shalt  }
0x59: {  	_ =	shalt  }
0x5a: {  	_ =	shalt  }
0x5b: {  	_ =	shalt  }
0x5c: {  	_ =	shalt  }
0x5d: {  	_ =	shalt  }
0x5e: {  	_ =	shalt  }
0x5f: {  	_ =	shalt  }
0x60: {  	_ =	shalt  }
0x61: {  	_ =	shalt  }
0x62: {  	_ =	shalt  }
0x63: {  	_ =	shalt  }
0x64: {  	_ =	shalt  }
0x65: {  	_ =	shalt  }
0x66: {  	_ =	shalt  }
0x67: {  	_ =	shalt  }
0x68: {  	_ =	shalt  }
0x69: {  	_ =	shalt  }
0x6a: {  	_ =	shalt  }
0x6b: {  	_ =	shalt  }
0x6c: {  	_ =	shalt  }
0x6d: {  	_ =	shalt  }
0x6e: {  	_ =	shalt  }
0x6f: {  	_ =	shalt  }
0x70: {  	_ =	shalt  }
0x71: {  	_ =	shalt  }
0x72: {  	_ =	shalt  }
0x73: {  	_ =	shalt  }
0x74: {  	_ =	shalt  }
0x75: {  	_ =	shalt  }
0x76: {  	_ =	shalt  }
0x77: {  	_ =	shalt  }
0x78: {  	_ =	shalt  }
0x79: {  	_ =	shalt  }
0x7a: {  	_ =	shalt  }
0x7b: {  	_ =	shalt  }
0x7c: {  	_ =	shalt  }
0x7d: {  	_ =	shalt  }
0x7e: {  	_ =	shalt  }
0x7f: {  	_ =	shalt  }
0x80: {  	_ =	shalt  }
0x81: {  	_ =	shalt  }
0x82: {  	_ =	shalt  }
0x83: {  	_ =	shalt  }
0x84: {  	_ =	shalt  }
0x85: {  	_ =	shalt  }
0x86: {  	_ =	shalt  }
0x87: {  	_ =	shalt  }
.Lfunc_end0:
.L_simem_size_0:
called_computation.1_lowered:
.L_overlay_start_0:
0x88: {  	s2 =	sld [smem:$0x3FD9]  }
0x89: {  	s3 =	sld [smem:$0x3FFE];
	_ =	sdelay $0x1  }
0x8a: {  	s1 =	srdreg.scid  }
0x8b: {  	s0 =	sand.u32 $0x1, s1  }
0x8c: {  	s16 =	sshll.u32 s0, $0xA;
	s2 =	sadd.s32 s3, s2  }
0x8d: {  	s2 =	sadd.s32 s2, s16  }
0x8e: {  	[smem:$0x3FC0] =	sst s2  }
0x8f: {  	_ = 	snop  }
0x90: {  	(tm) =	ssettm $0x1  }
0x91: {  	s17 =	sld [smem:$0x3FFB];
	_ =	sdelay $0x3  }
0x92: {  	_ =	strace s17  }
0x93: {  	s2 =	sld [smem:$0x3FFC];
	_ =	sdelay $0x3  }
0x94: {  	_ =	strace s2  }
0x95: {  	s2 =	sld [smem:$0x3FFD];
	_ =	sdelay $0x3  }
0x96: {  	_ =	strace s2  }
0x97: {  	_ =	strace $0x8FFFFFFF  }
0x98: {  	s18 =	sld [smem:$0x3FDB];
	_ =	sdelay $0x1  }
0x99: {  	s19 =	simm.s32 $_scs_section_size  }
0x9a: {  	s4 =	simm.s32 $_size__tile_overlayer_lowered;
	s5 =	simm.s32 $_tile_overlayer_lowered  }
0x9b: {  	s22 =	simm.s32 $0x1BFF;
	s21 =	sshll.u32 s5, $0x1;
	s2 =	sadd.s32 s19, s18  }
0x9c: {  	s6 =	simm.s32 $0x0;
	s20 =	sshll.u32 s4, $0x1;
	s4 =	sadd.s32 s21, s2  }
0x9d: {  	[timem:s6], [sflag:s22] =	dma.local [hbm:s4], s20  }
0x9e: {  	_ =	swait.ge [sflag:s22], s20  }
0x9f: {  	s3 =	ssub.s32 $0x0, s20;
	[sflag:s22] =	ssyncset.done $0x0  }
0xa0: {  	[sflag:s22] =	ssyncadd.s32 s3;
	_ =	sdelay $0x1  }
0xa1: {  	s23 =	simm.s32 $0x1B8B  }
0xa2: {  	_ =	swait.ge [sflag:s23], $0x1  }
0xa3: {  	[sflag:s23] =	ssyncset.done $0x0  }
0xa4: {  	s25 =	simm.s32 $0x1B8E;
	s24 =	sld [smem:$0x3FFE];
	[sflag:s23] =	ssyncadd.s32 $0xFFFFFFFF  }
0xa5: {  	s26 =	simm.s32 $execute0_lowered;
	[smem:$0x3FD2] =	sst s25  }
0xa6: {  	s4 =	sshll.u32 s26, $0x1;
	_ =	strace $0x80000049;
	[dreg:$0x1] =	wrdreg $0xFFFFFFFF  }
0xa7: {  	s28 =	simm.s32 $_size_execute0_lowered;
	s2 =	sadd.s32 s2, s4;
	[dreg:$0x0] =	wrdreg $0x0  }
0xa8: {  	s4 =	sshll.u32 s28, $0x1;
	[dreg:$0x2] =	wrdreg s2  }
0xa9: {  	[dreg:$0x3] =	wrdreg s4  }
0xaa: {  	[dreg:$0x4] =	wrdreg $0xC0  }
0xab: {  	_ =	task [dreg:s6], $0x5FFFF  }
0xac: {  	[dreg:$0x1] =	wrdreg $0xFFFFFFFF  }
0xad: {  	[dreg:$0x0] =	wrdreg $0x60  }
0xae: {  	[dreg:$0x2] =	wrdreg s24  }
0xaf: {  	[dreg:$0x3] =	wrdreg $0x0  }
0xb0: {  	[dreg:$0x4] =	wrdreg $0x9  }
0xb1: {  	_ =	task.clear_ibuf [dreg:s6], $0x5FFFF;
	_ =	strace $0x90000049  }
0xb2: {  	s29 =	simm.s32 $0x9;
	_ =	strace $0x8000004B  }
0xb3: {  	_ =	swait.ge [sflag:s29], $0x1  }
0xb4: {  	[sflag:s29] =	ssyncadd.s32 $0xFFFFFFFF  }
0xb5: {  	_ =	strace $0x9000004B  }
0xb6: {  	_ =	sfence  }
0xb7: {  	s30 =	sld [smem:$0x0];
	_ =	sdelay $0x2  }
0xb8: {  	s31 =	sshll.u32 s1, $0xD;
	s1 =	sshrl.u32 s1, $0x2  }
0xb9: {  	s3 =	sand.u32 $0x4000, s31;
	s1 =	sadd.s32 s1, s30  }
0xba: {  	s0 =	sor.u32 s3, s0;
	s1 =	sshll.u32 s1, $0x11  }
0xbb: {  	s0 =	sor.u32 s1, s0  }
0xbc: {  	s0 =	sadd.s32 $0x8F2B, s0  }
0xbd: {  	[sflag:s0] =	ssyncadd.remote.s32 $0x1  }
0xbe: {  	_ =	sfence.sel $0xFFFF  }
0xbf: {  	[dreg:$0x0] =	wrdreg $0xFFFFFFFF;
	(pc) =	sbr.abs _section_cstart, $3  }
0xc0: {  	[dreg:$0x1] =	wrdreg $0xFFFFFFFF  }
0xc1: {  	_ =	task.clear_ibuf [dreg:s6], $0x2FFFF;
	_ =	strace $0x9FFFFFFF  }
0xc2: {  	(tm) =	ssettm $0x7FFFFFFF  }
0xc3: {  	_ =	shalt  }
tec
execute0_lowered:
.L_overlay_start_1:
0x0: {  	(tag) =	ssettag $0x1  }
0x1: {  	s0 =	rddreg [dreg:$0x0]  }
0x2: {  	s2 =	rddreg [dreg:$0x1]  }
0x3: {  	s10 =	stileid.u32;
	s1 =	srdreg.scid  }
0x4: {  	s3 =	simm.s32 $0x0;
	s16 =	simm.s32 $0xD;
	s28 =	simm.s32 $0x3  }
0x5: {  	s29 =	simm.s32 $0x1BB00;
	s30 =	simm.s32 $0x7;
	s31 =	simm.s32 $0x4  }
0x6: {  	s14 =	simm.s32 $0xC;
	s17 =	simm.s32 $0x0;
	s5 =	smul.u32 $0x2800, s10  }
0x7: {  	s1 =	sand.u32 $0x1, s1;
	[smem:$0x7FF] =	sst s3;
	s4 =	sadd.s32 $0xD9000, s0  }
0x8: {  	s8 =	sadd.s32 $0x2200, s0;
	s19 =	sadd.s32 $0x179000, s0;
	s20 =	smul.u32 $0x13B0, s10  }
0x9: {  	s9 =	smul.u32 $0x50000, s10;
	s24 =	sshll.u32 s10, $0x6;
	s10 =	simm.s32 $0xA  }
0xa: {  	s6 =	smul.u32 $0x28000, s1;
	_ =	strace $0x8000004A;
	[dreg:$0x3] =	wrdreg s8  }
0xb: {  	s7 =	smul.u32 $0x13B00, s1;
	[dreg:$0x4] =	wrdreg s19;
	s1 =	ssub.s32 $0x2, s1  }
0xc: {  	s15 =	sor.u32 $0x1C0D, s24;
	s8 =	simm.s32 $0xB;
	s24 =	simm.s32 $0x14280  }
0xd: {  	s21 =	sshrl.u32 s1, $0x1;
	s23 =	sshrl.u32 s9, $0x2;
	s9 =	simm.s32 $0x6  }
0xe: {  	[dreg:$0x6] =	wrdreg s15;
	s6 =	sadd.s32 s5, s6;
	s5 =	sadd.s32 s5, s0  }
0xf: {  	s1 =	ssub.s32 s1, s21;
	s22 =	sadd.s32 s20, s7;
	s7 =	sadd.s32 s23, s2  }
0x10: {  	s23 =	simm.s32 $0x78;
	s0 =	sadd.s32 s6, s0;
	s5 =	sadd.s32 $0xB1000, s5  }
0x11: {  	s25 =	sadd.s32 $0xF0, s22;
	s1 =	smax.u32 s1, $0x1;
	s26 =	sadd.s32 $0x78, s22  }
0x12: {  	s13 =	sshrl.u32 s22, $0x3;
	s6 =	sshrl.u32 s7, $0x3;
	s22 =	simm.s32 $0x1  }
0x13: {  	s7 =	simm.s32 $0x9;
	[dreg:$0x5] =	wrdreg s5;
	s0 =	sadd.s32 $0x7200, s0  }
0x14: {  	[dreg:$0x8] =	wrdreg s1;
	s11 =	sshrl.u32 s25, $0x3;
	s12 =	sshrl.u32 s26, $0x3  }
0x15: {  	s25 =	simm.s32 $0x2;
	s26 =	simm.s32 $0x17F00;
	[dreg:$0x9] =	wrdreg s6  }
0x16: {  	s1 =	simm.s32 $0x5;
	[dreg:$0x7] =	wrdreg s0;
	s0 =	simm.s32 $0x8  }
.LBB2_1:
0x17: {  	[dreg:$0xa] =	wrdreg s17  }
0x18: {  	s5 =	rddreg [dreg:$0x5]  }
0x19: {  	[spmem:s6], [sflag:s15] =	dma.local [hbm:s5], $0x2800  }
0x1a: {  	_ =	swait.ge [sflag:s16], $0x2800  }
0x1b: {  	[sflag:s16] =	ssyncset.done $0x0  }
0x1c: {  	[sflag:s16] =	ssyncadd.s32 $0xFFFFD800  }
0x1d: {  	[bflag:$0x0] =	sbarrier.arrive $0xFFFF  }
0x1e: {  	s6 =	rddreg [dreg:$0x3]  }
0x1f: {  	s15 =	simm.s32 $0x14000;
	s17 =	sadd.s32 s6, s13  }
0x20: {  	[tilespmem:s15], [sflag:$0x1] =	stream.linear.gather [hbm4b:s17+s3], $0x78, $0x38;
	[tilespmem:$0x1F700] =	vst v63  }
0x21: {  	s18 =	sadd.s32 s6, s12;
	s17 =	simm.s32 $0x14080  }
0x22: {  	[tilespmem:s17], [sflag:$0x2] =	stream.linear.gather [hbm4b:s18+s3], $0x78, $0x38;
	[tilespmem:$0x1F700] =	vst v63  }
0x23: {  	s16 =	rddreg [dreg:$0x4];
	s19 =	sadd.s32 s6, s11;
	s18 =	simm.s32 $0x14100  }
0x24: {  	[tilespmem:s18], [sflag:$0x3] =	stream.linear.gather [hbm4b:s19+s3], $0x78, $0x38;
	[tilespmem:$0x1F700] =	vst v63  }
0x25: {  	s20 =	sadd.s32 s16, s13;
	s19 =	simm.s32 $0x14180  }
0x26: {  	[tilespmem:s19], [sflag:$0x4] =	stream.linear.gather [hbm4b:s20+s3], $0x78, $0x38;
	[tilespmem:$0x1F700] =	vst v63  }
0x27: {  	s21 =	sadd.s32 s16, s12;
	s20 =	simm.s32 $0x14200  }
0x28: {  	[tilespmem:s20], [sflag:$0x5] =	stream.linear.gather [hbm4b:s21+s3], $0x78, $0x38;
	[tilespmem:$0x1F700] =	vst v63  }
0x29: {  	s5 =	sadd.s32 s16, s11;
	s21 =	simm.s32 $0x14280  }
0x2a: {  	[tilespmem:s21], [sflag:$0x6] =	stream.linear.gather [hbm4b:s5+s3], $0x78, $0x38;
	[tilespmem:$0x1F700] =	vst v63  }
0x2b: {  	_ =	swait.ge [sflag:s22], $0x78  }
0x2c: {  	[sflag:s22] =	ssyncset.done $0x0  }
0x2d: {  	s5 =	simm.s32 $0x14300;
	[sflag:s22] =	ssyncadd.s32 $0xFFFFFF88  }
0x2e: {  	[tilespmem:s5], [sflag:$0x7] =	stream.indirect.gather [hbm4b:s4+s23], $0x80, s15, s23, $0xb8;
	[tilespmem:$0x1F700] =	vst v63  }
0x2f: {  	_ =	swait.ge [sflag:s25], $0x78  }
0x30: {  	[sflag:s25] =	ssyncset.done $0x0  }
0x31: {  	[sflag:s25] =	ssyncadd.s32 $0xFFFFFF88  }
0x32: {  	[tilespmem:s26], [sflag:$0x8] =	stream.indirect.gather [hbm4b:s4+s23], $0x80, s17, s23, $0xb8;
	[tilespmem:$0x1F700] =	vst v63  }
0x33: {  	_ =	swait.ge [sflag:s28], $0x78  }
0x34: {  	[sflag:s28] =	ssyncset.done $0x0  }
0x35: {  	[sflag:s28] =	ssyncadd.s32 $0xFFFFFF88  }
0x36: {  	[tilespmem:s29], [sflag:$0x9] =	stream.indirect.gather [hbm4b:s4+s23], $0x80, s18, s23, $0xb8;
	[tilespmem:$0x1F700] =	vst v63  }
0x37: {  	_ =	swait.ge [sflag:s30], $0x3C00  }
0x38: {  	[sflag:s30] =	ssyncset.done $0x0  }
0x39: {  	[sflag:s30] =	ssyncadd.s32 $0xFFFFC400  }
0x3a: {  	_ =	swait.ge [sflag:s31], $0x78  }
0x3b: {  	[sflag:s31] =	ssyncset.done $0x0  }
0x3c: {  	[sflag:s31] =	ssyncadd.s32 $0xFFFFFF88  }
0x3d: {  	[spmem:s2] =	stream.indirect.scatter.add.f32 [tilespmem:s5], [sflag:$0xA], $0x80, s19, s23, $0xb8;
	[tilespmem:$0x1F700] =	vst v63  }
0x3e: {  	_ =	swait.ge [sflag:s0], $0x3C00  }
0x3f: {  	[sflag:s0] =	ssyncset.done $0x0  }
0x40: {  	[sflag:s0] =	ssyncadd.s32 $0xFFFFC400  }
0x41: {  	_ =	swait.ge [sflag:s1], $0x78  }
0x42: {  	[sflag:s1] =	ssyncset.done $0x0  }
0x43: {  	[sflag:s1] =	ssyncadd.s32 $0xFFFFFF88  }
0x44: {  	[spmem:s2] =	stream.indirect.scatter.add.f32 [tilespmem:s26], [sflag:$0xB], $0x80, s20, s23, $0xb8;
	[tilespmem:$0x1F700] =	vst v63  }
0x45: {  	_ =	swait.ge [sflag:s7], $0x3C00  }
0x46: {  	[sflag:s7] =	ssyncset.done $0x0  }
0x47: {  	[sflag:s7] =	ssyncadd.s32 $0xFFFFC400  }
0x48: {  	_ =	swait.ge [sflag:s9], $0x78  }
0x49: {  	[sflag:s9] =	ssyncset.done $0x0  }
0x4a: {  	[sflag:s9] =	ssyncadd.s32 $0xFFFFFF88  }
0x4b: {  	[spmem:s2] =	stream.indirect.scatter.add.f32 [tilespmem:s29], [sflag:$0xC], $0x80, s21, s23, $0xb8;
	[tilespmem:$0x1F700] =	vst v63  }
0x4c: {  	_ =	swait.ge [sflag:s10], $0x3C00  }
0x4d: {  	[sflag:s10] =	ssyncset.done $0x0  }
0x4e: {  	[sflag:s10] =	ssyncadd.s32 $0xFFFFC400  }
0x4f: {  	_ =	swait.ge [sflag:s8], $0x3C00  }
0x50: {  	[sflag:s8] =	ssyncset.done $0x0  }
0x51: {  	[sflag:s8] =	ssyncadd.s32 $0xFFFFC400  }
0x52: {  	s15 =	simm.s32 $0xC;
	_ =	swait.ge [sflag:s14], $0x3C00  }
0x53: {  	s5 =	sadd.s32 $0x2D, s6;
	s6 =	smov.u32 s16;
	[sflag:s14] =	ssyncset.done $0x0  }
.LBB2_2:
0x54: {  	s16 =	sadd.s32 s5, s13;
	[sflag:s14] =	ssyncadd.s32 $0xFFFFC400  }
0x55: {  	s6 =	sadd.s32 $0x2D, s6;
	s17 =	simm.s32 $0x14000;
	p0 =	sne.s32 s15, $0x1  }
0x56: {  	[tilespmem:s17], [sflag:$0x1] =	stream.linear.gather [hbm4b:s16+s3], $0x78, $0x38;
	[tilespmem:$0x1F700] =	vst v63  }
0x57: {  	s15 =	sadd.s32 $0xFFFFFFFF, s15;
	s18 =	simm.s32 $0x14080;
	s16 =	sadd.s32 s5, s12  }
0x58: {  	[tilespmem:s18], [sflag:$0x2] =	stream.linear.gather [hbm4b:s16+s3], $0x78, $0x38;
	[tilespmem:$0x1F700] =	vst v63  }
0x59: {  	s19 =	simm.s32 $0x14100;
	s16 =	sadd.s32 s5, s11  }
0x5a: {  	[tilespmem:s19], [sflag:$0x3] =	stream.linear.gather [hbm4b:s16+s3], $0x78, $0x38;
	[tilespmem:$0x1F700] =	vst v63  }
0x5b: {  	s20 =	simm.s32 $0x14180;
	s16 =	sadd.s32 s6, s13  }
0x5c: {  	[tilespmem:s20], [sflag:$0x4] =	stream.linear.gather [hbm4b:s16+s3], $0x78, $0x38;
	[tilespmem:$0x1F700] =	vst v63  }
0x5d: {  	s21 =	simm.s32 $0x14200;
	s16 =	sadd.s32 s6, s12  }
0x5e: {  	[tilespmem:s21], [sflag:$0x5] =	stream.linear.gather [hbm4b:s16+s3], $0x78, $0x38;
	[tilespmem:$0x1F700] =	vst v63  }
0x5f: {  	s16 =	sadd.s32 s6, s11  }
0x60: {  	[tilespmem:s24], [sflag:$0x6] =	stream.linear.gather [hbm4b:s16+s3], $0x78, $0x38;
	[tilespmem:$0x1F700] =	vst v63  }
0x61: {  	_ =	swait.ge [sflag:s22], $0x78  }
0x62: {  	[sflag:s22] =	ssyncset.done $0x0  }
0x63: {  	s16 =	simm.s32 $0x14300;
	[sflag:s22] =	ssyncadd.s32 $0xFFFFFF88  }
0x64: {  	[tilespmem:s16], [sflag:$0x7] =	stream.indirect.gather [hbm4b:s4+s23], $0x80, s17, s23, $0xb8;
	[tilespmem:$0x1F700] =	vst v63  }
0x65: {  	_ =	swait.ge [sflag:s25], $0x78  }
0x66: {  	[sflag:s25] =	ssyncset.done $0x0  }
0x67: {  	[sflag:s25] =	ssyncadd.s32 $0xFFFFFF88  }
0x68: {  	[tilespmem:s26], [sflag:$0x8] =	stream.indirect.gather [hbm4b:s4+s23], $0x80, s18, s23, $0xb8;
	[tilespmem:$0x1F700] =	vst v63  }
0x69: {  	_ =	swait.ge [sflag:s28], $0x78  }
0x6a: {  	[sflag:s28] =	ssyncset.done $0x0  }
0x6b: {  	[sflag:s28] =	ssyncadd.s32 $0xFFFFFF88  }
0x6c: {  	[tilespmem:s29], [sflag:$0x9] =	stream.indirect.gather [hbm4b:s4+s23], $0x80, s19, s23, $0xb8;
	[tilespmem:$0x1F700] =	vst v63  }
0x6d: {  	_ =	swait.ge [sflag:s30], $0x3C00  }
0x6e: {  	[sflag:s30] =	ssyncset.done $0x0  }
0x6f: {  	[sflag:s30] =	ssyncadd.s32 $0xFFFFC400  }
0x70: {  	_ =	swait.ge [sflag:s31], $0x78  }
0x71: {  	[sflag:s31] =	ssyncset.done $0x0  }
0x72: {  	[sflag:s31] =	ssyncadd.s32 $0xFFFFFF88  }
0x73: {  	[spmem:s2] =	stream.indirect.scatter.add.f32 [tilespmem:s16], [sflag:$0xA], $0x80, s20, s23, $0xb8;
	[tilespmem:$0x1F700] =	vst v63  }
0x74: {  	_ =	swait.ge [sflag:s0], $0x3C00  }
0x75: {  	[sflag:s0] =	ssyncset.done $0x0  }
0x76: {  	[sflag:s0] =	ssyncadd.s32 $0xFFFFC400  }
0x77: {  	_ =	swait.ge [sflag:s1], $0x78  }
0x78: {  	[sflag:s1] =	ssyncset.done $0x0  }
0x79: {  	[sflag:s1] =	ssyncadd.s32 $0xFFFFFF88  }
0x7a: {  	[spmem:s2] =	stream.indirect.scatter.add.f32 [tilespmem:s26], [sflag:$0xB], $0x80, s21, s23, $0xb8;
	[tilespmem:$0x1F700] =	vst v63  }
0x7b: {  	_ =	swait.ge [sflag:s7], $0x3C00  }
0x7c: {  	[sflag:s7] =	ssyncset.done $0x0  }
0x7d: {  	[sflag:s7] =	ssyncadd.s32 $0xFFFFC400  }
0x7e: {  	_ =	swait.ge [sflag:s9], $0x78  }
0x7f: {  	[sflag:s9] =	ssyncset.done $0x0  }
0x80: {  	[sflag:s9] =	ssyncadd.s32 $0xFFFFFF88  }
0x81: {  	[spmem:s2] =	stream.indirect.scatter.add.f32 [tilespmem:s29], [sflag:$0xC], $0x80, s24, s23, $0xb8;
	[tilespmem:$0x1F700] =	vst v63  }
0x82: {  	_ =	swait.ge [sflag:s10], $0x3C00  }
0x83: {  	[sflag:s10] =	ssyncset.done $0x0  }
0x84: {  	[sflag:s10] =	ssyncadd.s32 $0xFFFFC400  }
.Ltmp0:
0x85: {  	_ =	swait.ge [sflag:s8], $0x3C00;
	(pc) =	sbr.rel @p0 .LBB2_2-.Ltmp0, $4  }
0x86: {  	[sflag:s8] =	ssyncset.done $0x0  }
0x87: {  	[sflag:s8] =	ssyncadd.s32 $0xFFFFC400  }
0x88: {  	_ =	swait.ge [sflag:s14], $0x3C00  }
0x89: {  	s5 =	sadd.s32 $0x2D, s5;
	[sflag:s14] =	ssyncset.done $0x0  }
0x8a: {  	s15 =	sadd.s32 s5, s13;
	[sflag:s14] =	ssyncadd.s32 $0xFFFFC400;
	s16 =	simm.s32 $0x14000  }
0x8b: {  	[tilespmem:s16], [sflag:$0x1] =	stream.linear.gather [hbm4b:s15+s3], $0x78, $0x38;
	[tilespmem:$0x1F700] =	vst v63  }
0x8c: {  	s18 =	sadd.s32 s5, s12;
	s17 =	simm.s32 $0x14080  }
0x8d: {  	[tilespmem:s17], [sflag:$0x2] =	stream.linear.gather [hbm4b:s18+s3], $0x78, $0x38;
	[tilespmem:$0x1F700] =	vst v63  }
0x8e: {  	s6 =	sadd.s32 $0x2D, s6;
	s19 =	sadd.s32 s5, s11;
	s15 =	simm.s32 $0x14100  }
0x8f: {  	[tilespmem:s15], [sflag:$0x3] =	stream.linear.gather [hbm4b:s19+s3], $0x78, $0x38;
	[tilespmem:$0x1F700] =	vst v63  }
0x90: {  	s20 =	sadd.s32 s6, s13;
	s18 =	simm.s32 $0x14180  }
0x91: {  	[tilespmem:s18], [sflag:$0x4] =	stream.linear.gather [hbm4b:s20+s3], $0x78, $0x38;
	[tilespmem:$0x1F700] =	vst v63  }
0x92: {  	s21 =	sadd.s32 s6, s12;
	s19 =	simm.s32 $0x14200  }
0x93: {  	[tilespmem:s19], [sflag:$0x5] =	stream.linear.gather [hbm4b:s21+s3], $0x78, $0x38;
	[tilespmem:$0x1F700] =	vst v63  }
0x94: {  	s6 =	sadd.s32 s6, s11;
	s20 =	simm.s32 $0x14280  }
0x95: {  	[tilespmem:s20], [sflag:$0x6] =	stream.linear.gather [hbm4b:s6+s3], $0x78, $0x38;
	[tilespmem:$0x1F700] =	vst v63  }
0x96: {  	_ =	swait.ge [sflag:s22], $0x78  }
0x97: {  	[sflag:s22] =	ssyncset.done $0x0  }
0x98: {  	s21 =	simm.s32 $0x14300;
	[sflag:s22] =	ssyncadd.s32 $0xFFFFFF88  }
0x99: {  	[tilespmem:s21], [sflag:$0x7] =	stream.indirect.gather [hbm4b:s4+s23], $0x80, s16, s23, $0xb8;
	[tilespmem:$0x1F700] =	vst v63  }
0x9a: {  	_ =	swait.ge [sflag:s25], $0x78  }
0x9b: {  	[sflag:s25] =	ssyncset.done $0x0  }
0x9c: {  	[sflag:s25] =	ssyncadd.s32 $0xFFFFFF88  }
0x9d: {  	[tilespmem:s26], [sflag:$0x8] =	stream.indirect.gather [hbm4b:s4+s23], $0x80, s17, s23, $0xb8;
	[tilespmem:$0x1F700] =	vst v63  }
0x9e: {  	_ =	swait.ge [sflag:s28], $0x78  }
0x9f: {  	[sflag:s28] =	ssyncset.done $0x0  }
0xa0: {  	[sflag:s28] =	ssyncadd.s32 $0xFFFFFF88  }
0xa1: {  	[tilespmem:s29], [sflag:$0x9] =	stream.indirect.gather [hbm4b:s4+s23], $0x80, s15, s23, $0xb8;
	[tilespmem:$0x1F700] =	vst v63  }
0xa2: {  	_ =	swait.ge [sflag:s30], $0x3C00  }
0xa3: {  	[sflag:s30] =	ssyncset.done $0x0  }
0xa4: {  	[sflag:s30] =	ssyncadd.s32 $0xFFFFC400  }
0xa5: {  	_ =	swait.ge [sflag:s31], $0x78  }
0xa6: {  	[sflag:s31] =	ssyncset.done $0x0  }
0xa7: {  	[sflag:s31] =	ssyncadd.s32 $0xFFFFFF88  }
0xa8: {  	[spmem:s2] =	stream.indirect.scatter.add.f32 [tilespmem:s21], [sflag:$0xA], $0x80, s18, s23, $0xb8;
	[tilespmem:$0x1F700] =	vst v63  }
0xa9: {  	_ =	swait.ge [sflag:s0], $0x3C00  }
0xaa: {  	[sflag:s0] =	ssyncset.done $0x0  }
0xab: {  	[sflag:s0] =	ssyncadd.s32 $0xFFFFC400  }
0xac: {  	_ =	swait.ge [sflag:s1], $0x78  }
0xad: {  	[sflag:s1] =	ssyncset.done $0x0  }
0xae: {  	[sflag:s1] =	ssyncadd.s32 $0xFFFFFF88  }
0xaf: {  	[spmem:s2] =	stream.indirect.scatter.add.f32 [tilespmem:s26], [sflag:$0xB], $0x80, s19, s23, $0xb8;
	[tilespmem:$0x1F700] =	vst v63  }
0xb0: {  	_ =	swait.ge [sflag:s7], $0x3C00  }
0xb1: {  	[sflag:s7] =	ssyncset.done $0x0  }
0xb2: {  	[sflag:s7] =	ssyncadd.s32 $0xFFFFC400  }
0xb3: {  	_ =	swait.ge [sflag:s9], $0x78  }
0xb4: {  	[sflag:s9] =	ssyncset.done $0x0  }
0xb5: {  	[sflag:s9] =	ssyncadd.s32 $0xFFFFFF88  }
0xb6: {  	[spmem:s2] =	stream.indirect.scatter.add.f32 [tilespmem:s29], [sflag:$0xC], $0x80, s20, s23, $0xb8;
	[tilespmem:$0x1F700] =	vst v63  }
0xb7: {  	_ =	swait.ge [sflag:s10], $0x3C00  }
0xb8: {  	[sflag:s10] =	ssyncset.done $0x0  }
0xb9: {  	[sflag:s10] =	ssyncadd.s32 $0xFFFFC400  }
0xba: {  	_ =	swait.ge [sflag:s8], $0x3C00  }
0xbb: {  	[sflag:s8] =	ssyncset.done $0x0  }
0xbc: {  	[sflag:s8] =	ssyncadd.s32 $0xFFFFC400  }
0xbd: {  	_ =	swait.ge [sflag:s14], $0x3C00  }
0xbe: {  	[sflag:s14] =	ssyncset.done $0x0  }
0xbf: {  	[sflag:s14] =	ssyncadd.s32 $0xFFFFC400  }
0xc0: {  	[bflag:$0x0] =	sbarrier.arrive $0xFFFF  }
0xc1: {  	s15 =	rddreg [dreg:$0x6]  }
0xc2: {  	s19 =	rddreg [dreg:$0x7]  }
0xc3: {  	s16 =	simm.s32 $0xD;
	s6 =	rddreg [dreg:$0x9]  }
0xc4: {  	[hbm:s19], [sflag:s15] =	dma.local [spmem:s6], $0x2800  }
0xc5: {  	_ =	swait.ge [sflag:s16], $0x2800  }
0xc6: {  	s20 =	rddreg [dreg:$0xa]  }
0xc7: {  	s21 =	rddreg [dreg:$0x8];
	s17 =	sadd.s32 $0x1, s20  }
0xc8: {  	p0 =	sne.s32 s17, s21  }
.Ltmp1:
0xc9: {  	_ = 	snop;
	(pc) =	sbr.rel @p0 .LBB2_1-.Ltmp1, $3  }
0xca: {  	_ =	sdelay $0x1  }
0xcb: {  	[sflag:s16] =	ssyncset.done $0x0  }
0xcc: {  	[sflag:s16] =	ssyncadd.s32 $0xFFFFD800  }
0xcd: {  	_ =	sfence.sel $0x180000  }
0xce: {  	[bflag:$0x0] =	sbarrier.arrive $0xFFFF  }
0xcf: {  	_ =	strace $0x9000004A  }
0xd0: {  	s0 =	stileid.u32;
	[bflag:$0x2] =	sbarrier.arrive $0xFFFF  }
0xd1: {  	p0 =	sne.s32 s0, $0x0;
	s0 =	rddreg [dreg:$0x2]  }
0xd2: {  	s0 =	sadd.s32 @!p0 $0x100000, s0  }
0xd3: {  	[sflag:s0] =	ssyncadd.tile.s32 @!p0 $0x1;
	_ =	shalt  }
.Lfunc_end2:
_tile_overlayer_lowered:
.L_overlay_start_2:
0xd4: {  	(tag) =	ssettag $0x2  }
0xd5: {  	s0 =	rddreg [dreg:$0x0];
	s2 =	stileid.u32  }
0xd6: {  	s1 =	rddreg [dreg:$0x1];
	p0 =	sne.s32 s2, $0x0  }
0xd7: {  	s3 =	rddreg [dreg:$0x2];
	[bflag:$0x3] =	sbarrier.arrive $0xFFFF;
	s2 =	simm.s32 @!p0 $0x1C0D  }
0xd8: {  	[timem:s3], [sflag:s2] =	dma.local @!p0 [hbm:s0], s1  }
0xd9: {  	s0 =	simm.s32 @!p0 $0xD  }
0xda: {  	_ =	swait.ge @!p0 [sflag:s0], s1  }
0xdb: {  	s1 =	ssub.s32 @!p0 $0x0, s1;
	[sflag:s0] =	ssyncset.done @!p0 $0x0  }
0xdc: {  	[sflag:s0] =	ssyncadd.s32 @!p0 s1  }
0xdd: {  	[bflag:$0x3] =	sbarrier.arrive $0xFFFF  }
0xde: {  	_ =	shalt  }

// kernel: kernel.7.cloned.1.call-start
scs
__scs_entry_jumppad:
0x0: {  	(pc) =	sbr.rel $0x88, $3  }
0x1: {  	(tag) =	ssettag $0x0;
	lr =	simm.s32 $0x1  }
0x2: {  	[smem:$0x3F99] =	sst lr;
	_ =	strace $0xD0000000  }
0x3: {  	_ = 	snop  }
0x4: {  	_ = 	snop  }
0x5: {  	_ = 	snop  }
0x6: {  	_ = 	snop  }
0x7: {  	_ = 	snop  }
__scs_overlays_trampoline_lowered:
0x8: {  	[smem:$0x3FA8] =	sst s0  }
0x9: {  	[smem:$0x3FA9] =	sst s1  }
0xa: {  	[smem:$0x3FAA] =	sst s2  }
0xb: {  	[smem:$0x3FAB] =	sst s3  }
0xc: {  	[smem:$0x3FAC] =	sst s4  }
0xd: {  	[smem:$0x3FAD] =	sst s5  }
0xe: {  	[smem:$0x3FAE] =	sst s6  }
0xf: {  	[smem:$0x3FAF] =	sst s7  }
0x10: {  	[smem:$0x3FB0] =	sst s8  }
0x11: {  	[smem:$0x3FB1] =	sst s9;
	s0 =	simm.s32 @!p0 $0x0  }
0x12: {  	s1 =	sld [smem:$0x3F97];
	s0 =	simm.s32 @p0 $0x1  }
0x13: {  	[smem:$0x3FB2] =	sst s0;
	s0 =	simm.s32 @!p1 $0x0  }
0x14: {  	s2 =	sld [smem:$0x3F96];
	s0 =	simm.s32 @p1 $0x1  }
0x15: {  	[smem:$0x3FB3] =	sst s0;
	s0 =	simm.s32 @!p2 $0x0  }
0x16: {  	s3 =	sld [smem:$0x3FDB];
	s0 =	simm.s32 @p2 $0x1  }
0x17: {  	s4 =	simm.s32 $0x1BF5;
	[smem:$0x3FB5] =	sst s0  }
0x18: {  	s0 =	sld [smem:$0x3F98];
	_ =	swait.ge [sflag:s4], $0x0  }
0x19: {  	s7 =	sld [smem:$0x3F99]  }
0x1a: {  	s8 =	sadd.s32 $0xFFFFE003, lr  }
0x1b: {  	s9 =	sadd.s32 $0xFFFFFEF7, lr;
	s5 =	simm.s32 $0xFFFFFFFF;
	p2 =	slt.u32 s8, $0xFFFFF086  }
0x1c: {  	p1 =	slt.u32 s9, $0xF7A;
	s5 =	simm.s32 @!p2 $0x0  }
0x1d: {  	s5 =	simm.s32 @p1 $0x1;
	p0 =	seq.s32 s7, s2  }
0x1e: {  	s7 =	smul.u32 @!p0 $0xF7A, s2;
	p2 =	seq.s32 @!p0 s5, $0x0  }
0x1f: {  	s9 =	smul.u32 $0xF7A, s1;
	s8 =	simm.s32 @!p0 $0x1BF5;
	p2 =	por !p2, p0  }
0x20: {  	[sflag:s8] =	ssyncset.s32 @!p0 $0xFFFFF086;
	s6 =	sadd.s32 @!p0 s3, s7;
	s7 =	simm.s32 @!p0 $0x108  }
0x21: {  	s3 =	sadd.s32 s3, s9;
	s6 =	sadd.s32 @!p0 $0x88, s6;
	s7 =	simm.s32 @p2 $0x1082  }
0x22: {  	[simem:s7], [sflag:s8] =	dma.local @!p0 [hbm:s6], $0xF7A  }
0x23: {  	s9 =	sor.u32 $0xD0000000, s2;
	s6 =	simm.s32 $0x108;
	_ =	swait.ge @!p0 [sflag:s8], $0x0  }
0x24: {  	s3 =	sadd.s32 $0x88, s3;
	s6 =	simm.s32 @!p1 $0x1082;
	[sflag:s4] =	ssyncset.s32 $0xFFFFF086  }
0x25: {  	[simem:s6], [sflag:s4] =	dma.local [hbm:s3], $0xF7A  }
0x26: {  	[smem:$0x3F99] =	sst s1;
	(tag) =	ssettag s2;
	_ =	strace s9  }
0x27: {  	s1 =	sld [smem:$0x3FA9]  }
0x28: {  	s2 =	sld [smem:$0x3FAA]  }
0x29: {  	s4 =	sld [smem:$0x3FAC]  }
0x2a: {  	p0 =	seq.s32 s5, $0x0;
	s5 =	sld [smem:$0x3FAD]  }
0x2b: {  	s6 =	sld [smem:$0x3FAE]  }
0x2c: {  	s7 =	sld [smem:$0x3FAF]  }
0x2d: {  	s3 =	simm.s32 $0x108;
	s8 =	sld [smem:$0x3FB0]  }
0x2e: {  	s3 =	simm.s32 @!p0 $0x1082;
	s9 =	sld [smem:$0x3FB1]  }
0x2f: {  	lr =	sadd.s32 s0, s3;
	s0 =	sld [smem:$0x3FA8]  }
0x30: {  	s3 =	sld [smem:$0x3FAB]  }
0x31: {  	[smem:$0x3FB4] =	sst s10  }
0x32: {  	s10 =	sld [smem:$0x3FB2];
	_ =	sdelay $0x3  }
0x33: {  	p0 =	seq.s32 s10, $0x1;
	s10 =	sld [smem:$0x3FB4];
	_ =	sdelay $0x3  }
0x34: {  	[smem:$0x3FB4] =	sst s10  }
0x35: {  	s10 =	sld [smem:$0x3FB3];
	_ =	sdelay $0x3  }
0x36: {  	p1 =	seq.s32 s10, $0x1;
	s10 =	sld [smem:$0x3FB4];
	_ =	sdelay $0x3  }
0x37: {  	[smem:$0x3FB4] =	sst s10  }
0x38: {  	s10 =	sld [smem:$0x3FB5]  }
0x39: {  	_ = 	snop;
	(pc) =	sbr.ind lr, $3  }
0x3a: {  	_ = 	snop  }
0x3b: {  	_ = 	snop  }
0x3c: {  	p2 =	seq.s32 s10, $0x1;
	s10 =	sld [smem:$0x3FB4]  }
0x3d: {  	_ =	shalt  }
0x3e: {  	_ =	shalt  }
0x3f: {  	_ =	shalt  }
0x40: {  	_ =	shalt  }
0x41: {  	_ =	shalt  }
0x42: {  	_ =	shalt  }
0x43: {  	_ =	shalt  }
0x44: {  	_ =	shalt  }
0x45: {  	_ =	shalt  }
0x46: {  	_ =	shalt  }
0x47: {  	_ =	shalt  }
0x48: {  	_ =	shalt  }
0x49: {  	_ =	shalt  }
0x4a: {  	_ =	shalt  }
0x4b: {  	_ =	shalt  }
0x4c: {  	_ =	shalt  }
0x4d: {  	_ =	shalt  }
0x4e: {  	_ =	shalt  }
0x4f: {  	_ =	shalt  }
0x50: {  	_ =	shalt  }
0x51: {  	_ =	shalt  }
0x52: {  	_ =	shalt  }
0x53: {  	_ =	shalt  }
0x54: {  	_ =	shalt  }
0x55: {  	_ =	shalt  }
0x56: {  	_ =	shalt  }
0x57: {  	_ =	shalt  }
0x58: {  	_ =	shalt  }
0x59: {  	_ =	shalt  }
0x5a: {  	_ =	shalt  }
0x5b: {  	_ =	shalt  }
0x5c: {  	_ =	shalt  }
0x5d: {  	_ =	shalt  }
0x5e: {  	_ =	shalt  }
0x5f: {  	_ =	shalt  }
0x60: {  	_ =	shalt  }
0x61: {  	_ =	shalt  }
0x62: {  	_ =	shalt  }
0x63: {  	_ =	shalt  }
0x64: {  	_ =	shalt  }
0x65: {  	_ =	shalt  }
0x66: {  	_ =	shalt  }
0x67: {  	_ =	shalt  }
0x68: {  	_ =	shalt  }
0x69: {  	_ =	shalt  }
0x6a: {  	_ =	shalt  }
0x6b: {  	_ =	shalt  }
0x6c: {  	_ =	shalt  }
0x6d: {  	_ =	shalt  }
0x6e: {  	_ =	shalt  }
0x6f: {  	_ =	shalt  }
0x70: {  	_ =	shalt  }
0x71: {  	_ =	shalt  }
0x72: {  	_ =	shalt  }
0x73: {  	_ =	shalt  }
0x74: {  	_ =	shalt  }
0x75: {  	_ =	shalt  }
0x76: {  	_ =	shalt  }
0x77: {  	_ =	shalt  }
0x78: {  	_ =	shalt  }
0x79: {  	_ =	shalt  }
0x7a: {  	_ =	shalt  }
0x7b: {  	_ =	shalt  }
0x7c: {  	_ =	shalt  }
0x7d: {  	_ =	shalt  }
0x7e: {  	_ =	shalt  }
0x7f: {  	_ =	shalt  }
0x80: {  	_ =	shalt  }
0x81: {  	_ =	shalt  }
0x82: {  	_ =	shalt  }
0x83: {  	_ =	shalt  }
0x84: {  	_ =	shalt  }
0x85: {  	_ =	shalt  }
0x86: {  	_ =	shalt  }
0x87: {  	_ =	shalt  }
.Lfunc_end0:
.L_simem_size_0:
called_computation_lowered:
.L_overlay_start_0:
0x88: {  	s2 =	sld [smem:$0x3FD9]  }
0x89: {  	s3 =	sld [smem:$0x3FFE];
	_ =	sdelay $0x1  }
0x8a: {  	s1 =	srdreg.scid  }
0x8b: {  	s0 =	sand.u32 $0x1, s1  }
0x8c: {  	s17 =	sshll.u32 s0, $0xA;
	s2 =	sadd.s32 s3, s2  }
0x8d: {  	s2 =	sadd.s32 s2, s17  }
0x8e: {  	[smem:$0x3FC0] =	sst s2  }
0x8f: {  	_ = 	snop  }
0x90: {  	s2 =	sld [smem:$0x3FD0];
	(tm) =	ssettm $0x1  }
0x91: {  	s18 =	sld [smem:$0x3FFB];
	_ =	sdelay $0x3  }
0x92: {  	_ =	strace s18  }
0x93: {  	s3 =	sld [smem:$0x3FFC];
	_ =	sdelay $0x3  }
0x94: {  	_ =	strace s3  }
0x95: {  	s3 =	sld [smem:$0x3FFD];
	_ =	sdelay $0x3  }
0x96: {  	_ =	strace s3  }
0x97: {  	_ =	strace $0x8FFFFFFF  }
0x98: {  	s19 =	sld [smem:$0x3FDB];
	_ =	sdelay $0x1  }
0x99: {  	s4 =	simm.s32 $_scs_section_size  }
0x9a: {  	s5 =	simm.s32 $_size__tile_overlayer_lowered;
	s6 =	simm.s32 $_tile_overlayer_lowered  }
0x9b: {  	s22 =	simm.s32 $0x1BFF;
	s21 =	sshll.u32 s6, $0x1;
	s3 =	sadd.s32 s4, s19  }
0x9c: {  	s7 =	simm.s32 $0x0;
	s20 =	sshll.u32 s5, $0x1;
	s5 =	sadd.s32 s21, s3  }
0x9d: {  	[timem:s7], [sflag:s22] =	dma.local [hbm:s5], s20  }
0x9e: {  	_ =	swait.ge [sflag:s22], s20  }
0x9f: {  	s4 =	ssub.s32 $0x0, s20;
	[sflag:s22] =	ssyncset.done $0x0  }
0xa0: {  	[sflag:s22] =	ssyncadd.s32 s4;
	_ =	sdelay $0x1  }
0xa1: {  	s23 =	simm.s32 $0x1B8B  }
0xa2: {  	_ =	swait.ge [sflag:s23], $0x1  }
0xa3: {  	[sflag:s23] =	ssyncset.done $0x0  }
0xa4: {  	s25 =	simm.s32 $0x1B8E;
	s24 =	sld [smem:$0x3FFE];
	[sflag:s23] =	ssyncadd.s32 $0xFFFFFFFF  }
0xa5: {  	s26 =	simm.s32 $execute0_lowered;
	[smem:$0x3FD2] =	sst s25  }
0xa6: {  	s5 =	sshll.u32 s26, $0x1;
	_ =	strace $0x80000046;
	[dreg:$0x1] =	wrdreg $0xFFFFFFFF  }
0xa7: {  	s28 =	simm.s32 $_size_execute0_lowered;
	s3 =	sadd.s32 s3, s5;
	[dreg:$0x0] =	wrdreg $0x0  }
0xa8: {  	s5 =	sshll.u32 s28, $0x1;
	[dreg:$0x2] =	wrdreg s3  }
0xa9: {  	[dreg:$0x3] =	wrdreg s5  }
0xaa: {  	[dreg:$0x4] =	wrdreg $0xC0  }
0xab: {  	_ =	task [dreg:s7], $0x5FFFF  }
0xac: {  	[dreg:$0x1] =	wrdreg $0xFFFFFFFF  }
0xad: {  	[dreg:$0x0] =	wrdreg $0x60  }
0xae: {  	[dreg:$0x2] =	wrdreg s24  }
0xaf: {  	[dreg:$0x3] =	wrdreg s2  }
0xb0: {  	[dreg:$0x4] =	wrdreg $0x0  }
0xb1: {  	[dreg:$0x5] =	wrdreg $0x9  }
0xb2: {  	_ =	task.clear_ibuf [dreg:s7], $0x6FFFF;
	_ =	strace $0x90000046  }
0xb3: {  	s29 =	simm.s32 $0x9;
	_ =	strace $0x80000048  }
0xb4: {  	_ =	swait.ge [sflag:s29], $0x1  }
0xb5: {  	[sflag:s29] =	ssyncadd.s32 $0xFFFFFFFF  }
0xb6: {  	_ =	strace $0x90000048  }
0xb7: {  	_ =	sfence  }
0xb8: {  	s30 =	sld [smem:$0x0];
	_ =	sdelay $0x2  }
0xb9: {  	s31 =	sshll.u32 s1, $0xD;
	s1 =	sshrl.u32 s1, $0x2  }
0xba: {  	s3 =	sand.u32 $0x4000, s31;
	s1 =	sadd.s32 s1, s30  }
0xbb: {  	s0 =	sor.u32 s3, s0;
	s1 =	sshll.u32 s1, $0x11  }
0xbc: {  	s0 =	sor.u32 s1, s0  }
0xbd: {  	s0 =	sadd.s32 $0x8F2B, s0  }
0xbe: {  	[sflag:s0] =	ssyncadd.remote.s32 $0x1  }
0xbf: {  	_ =	sfence.sel $0xFFFF  }
0xc0: {  	[dreg:$0x0] =	wrdreg $0xFFFFFFFF;
	(pc) =	sbr.abs _section_cstart, $3  }
0xc1: {  	[dreg:$0x1] =	wrdreg $0xFFFFFFFF  }
0xc2: {  	_ =	task.clear_ibuf [dreg:s7], $0x2FFFF;
	_ =	strace $0x9FFFFFFF  }
0xc3: {  	(tm) =	ssettm $0x7FFFFFFF  }
tec
execute0_lowered:
.L_overlay_start_1:
0x0: {  	(tag) =	ssettag $0x1  }
0x1: {  	s0 =	rddreg [dreg:$0x0];
	s11 =	stileid.u32  }
0x2: {  	s3 =	rddreg [dreg:$0x2];
	s1 =	smul.u32 $0x2800, s11  }
0x3: {  	s2 =	srdreg.scid;
	s4 =	simm.s32 $0x0;
	s6 =	smul.u32 $0x280, s11  }
0x4: {  	s28 =	simm.s32 $0x78;
	s29 =	simm.s32 $0x14300;
	s9 =	smul.u32 $0x2760, s11  }
0x5: {  	s30 =	simm.s32 $0x1;
	s2 =	sand.u32 $0x1, s2;
	s10 =	smul.u32 $0x50000, s11  }
0x6: {  	[smem:$0x7FF] =	sst s4;
	s5 =	sadd.s32 $0x61000, s0;
	s19 =	smul.u32 $0x13B0, s11  }
0x7: {  	s15 =	sadd.s32 $0x7200, s0;
	s18 =	sshll.u32 s11, $0x6;
	s7 =	smul.u32 $0x2800, s2  }
0x8: {  	_ =	strace $0x80000047;
	s14 =	smul.u32 $0x27600, s2;
	s8 =	ssub.s32 $0x2, s2  }
0x9: {  	s2 =	smul.u32 $0x13B00, s2;
	[dreg:$0x6] =	wrdreg s15;
	s1 =	sadd.s32 s1, s0  }
0xa: {  	s16 =	sshrl.u32 s8, $0x1;
	s17 =	sshrl.u32 s10, $0x2;
	s10 =	simm.s32 $0x4  }
0xb: {  	s6 =	sadd.s32 s6, s7;
	s7 =	sadd.s32 s9, s14;
	s11 =	sadd.s32 $0xB1000, s1  }
0xc: {  	s21 =	sadd.s32 s19, s2;
	s2 =	simm.s32 $0x5;
	s19 =	simm.s32 $0xC  }
0xd: {  	s9 =	simm.s32 $0x3;
	s6 =	sshll.u32 s6, $0x4;
	s23 =	sadd.s32 $0xF0, s7  }
0xe: {  	s24 =	sadd.s32 $0x78, s7;
	s25 =	sadd.s32 $0xF0, s21;
	s14 =	sshrl.u32 s7, $0x3  }
0xf: {  	s26 =	sadd.s32 $0x78, s21;
	s1 =	sshrl.u32 s21, $0x3;
	[dreg:$0x7] =	wrdreg s11  }
0x10: {  	s0 =	sadd.s32 s6, s0;
	s6 =	ssub.s32 s8, s16;
	s8 =	sadd.s32 s17, s3  }
0x11: {  	s16 =	sor.u32 $0x1C0D, s18;
	s12 =	sshrl.u32 s23, $0x3;
	s13 =	sshrl.u32 s24, $0x3  }
0x12: {  	s31 =	sshrl.u32 s26, $0x3;
	s23 =	simm.s32 $0x14180;
	s24 =	simm.s32 $0x14200  }
0x13: {  	s18 =	simm.s32 $0xB;
	s20 =	sadd.s32 $0xD9000, s0;
	[dreg:$0x8] =	wrdreg s16  }
0x14: {  	s26 =	simm.s32 $0x9;
	s0 =	sadd.s32 $0x129000, s0;
	[dreg:$0x9] =	wrdreg s20  }
0x15: {  	s22 =	smax.u32 s6, $0x1;
	s31 =	sadd.s32 s31, s15;
	[dreg:$0xa] =	wrdreg s0  }
0x16: {  	s7 =	sshrl.u32 s8, $0x3;
	s6 =	simm.s32 $0x6;
	[dreg:$0xb] =	wrdreg s22  }
0x17: {  	s8 =	simm.s32 $0xA;
	s0 =	sshrl.u32 s25, $0x3;
	[dreg:$0xc] =	wrdreg s31  }
0x18: {  	s20 =	sadd.s32 s1, s15;
	s25 =	simm.s32 $0x14280;
	[dreg:$0xd] =	wrdreg s7  }
0x19: {  	s22 =	simm.s32 $0x14100;
	s17 =	sadd.s32 s0, s15;
	[dreg:$0x5] =	wrdreg s20  }
0x1a: {  	v0 =	vimm.f32 $1.000000000e+00;
	s15 =	simm.s32 $0xD;
	s0 =	simm.s32 $0x0;
	[dreg:$0x4] =	wrdreg s17  }
.LBB2_1:
0x1b: {  	[dreg:$0xe] =	wrdreg s0  }
0x1c: {  	[spmem:s7], [sflag:s16] =	dma.local [hbm:s11], $0x2800  }
0x1d: {  	_ =	swait.ge [sflag:s15], $0x2800  }
0x1e: {  	[sflag:s15] =	ssyncset.done $0x0  }
0x1f: {  	[sflag:s15] =	ssyncadd.s32 $0xFFFFD800  }
0x20: {  	[bflag:$0x0] =	sbarrier.arrive $0xFFFF  }
0x21: {  	s16 =	rddreg [dreg:$0x1]  }
0x22: {  	s17 =	simm.s32 $0x14000;
	s7 =	sadd.s32 s16, s14  }
0x23: {  	[tilespmem:s17], [sflag:$0x1] =	stream.linear.gather [hbm4b:s7+s4], $0x78, $0x38;
	[tilespmem:$0x1F700] =	vst v63  }
0x24: {  	s31 =	simm.s32 $0x14080;
	s11 =	sadd.s32 s16, s13  }
0x25: {  	[tilespmem:s31], [sflag:$0x2] =	stream.linear.gather [hbm4b:s11+s4], $0x78, $0x38;
	[tilespmem:$0x1F700] =	vst v63  }
0x26: {  	s20 =	sadd.s32 s16, s12  }
0x27: {  	[tilespmem:s22], [sflag:$0x3] =	stream.linear.gather [hbm4b:s20+s4], $0x78, $0x38;
	[tilespmem:$0x1F700] =	vst v63  }
0x28: {  	s20 =	rddreg [dreg:$0x6]  }
0x29: {  	s0 =	sadd.s32 s20, s14  }
0x2a: {  	[tilespmem:s23], [sflag:$0x4] =	stream.linear.gather [hbm4b:s0+s4], $0x78, $0x38;
	[tilespmem:$0x1F700] =	vst v63  }
0x2b: {  	s7 =	sadd.s32 s20, s13  }
0x2c: {  	[tilespmem:s24], [sflag:$0x5] =	stream.linear.gather [hbm4b:s7+s4], $0x78, $0x38;
	[tilespmem:$0x1F700] =	vst v63  }
0x2d: {  	s11 =	sadd.s32 s20, s12  }
0x2e: {  	[tilespmem:s25], [sflag:$0x6] =	stream.linear.gather [hbm4b:s11+s4], $0x78, $0x38;
	[tilespmem:$0x1F700] =	vst v63  }
0x2f: {  	_ =	swait.ge [sflag:s30], $0x78  }
0x30: {  	[sflag:s30] =	ssyncset.done $0x0  }
0x31: {  	s0 =	simm.s32 $0x2;
	[sflag:s30] =	ssyncadd.s32 $0xFFFFFF88  }
0x32: {  	[tilespmem:s29], [sflag:$0x7] =	stream.indirect.gather [hbm4b:s5+s28], $0x80, s17, s28, $0xb8;
	[tilespmem:$0x1F700] =	vst v63  }
0x33: {  	_ =	swait.ge [sflag:s0], $0x78  }
0x34: {  	[sflag:s0] =	ssyncset.done $0x0  }
0x35: {  	s1 =	simm.s32 $0x17F00;
	[sflag:s0] =	ssyncadd.s32 $0xFFFFFF88  }
0x36: {  	[tilespmem:s1], [sflag:$0x8] =	stream.indirect.gather [hbm4b:s5+s28], $0x80, s31, s28, $0xb8;
	[tilespmem:$0x1F700] =	vst v63  }
0x37: {  	_ =	swait.ge [sflag:s9], $0x78  }
0x38: {  	[sflag:s9] =	ssyncset.done $0x0  }
0x39: {  	s21 =	simm.s32 $0x1BB00;
	s11 =	simm.s32 $0x7;
	[sflag:s9] =	ssyncadd.s32 $0xFFFFFF88  }
0x3a: {  	[tilespmem:s21], [sflag:$0x9] =	stream.indirect.gather [hbm4b:s5+s28], $0x80, s22, s28, $0xb8;
	[tilespmem:$0x1F700] =	vst v63  }
0x3b: {  	_ =	swait.ge [sflag:s11], $0x3C00  }
0x3c: {  	[sflag:s11] =	ssyncset.done $0x0  }
0x3d: {  	[sflag:s11] =	ssyncadd.s32 $0xFFFFC400  }
0x3e: {  	_ =	swait.ge [sflag:s10], $0x78  }
0x3f: {  	[sflag:s10] =	ssyncset.done $0x0  }
0x40: {  	s7 =	simm.s32 $0x8;
	[sflag:s10] =	ssyncadd.s32 $0xFFFFFF88  }
0x41: {  	[spmem:s3] =	stream.indirect.scatter.add.f32 [tilespmem:s29], [sflag:$0xA], $0x80, s23, s28, $0xb8;
	[tilespmem:$0x1F700] =	vst v63  }
0x42: {  	_ =	swait.ge [sflag:s7], $0x3C00  }
0x43: {  	[sflag:s7] =	ssyncset.done $0x0  }
0x44: {  	[sflag:s7] =	ssyncadd.s32 $0xFFFFC400  }
0x45: {  	_ =	swait.ge [sflag:s2], $0x78  }
0x46: {  	[sflag:s2] =	ssyncset.done $0x0  }
0x47: {  	[sflag:s2] =	ssyncadd.s32 $0xFFFFFF88  }
0x48: {  	[spmem:s3] =	stream.indirect.scatter.add.f32 [tilespmem:s1], [sflag:$0xB], $0x80, s24, s28, $0xb8;
	[tilespmem:$0x1F700] =	vst v63  }
0x49: {  	_ =	swait.ge [sflag:s26], $0x3C00  }
0x4a: {  	[sflag:s26] =	ssyncset.done $0x0  }
0x4b: {  	[sflag:s26] =	ssyncadd.s32 $0xFFFFC400  }
0x4c: {  	_ =	swait.ge [sflag:s6], $0x78  }
0x4d: {  	[sflag:s6] =	ssyncset.done $0x0  }
0x4e: {  	[sflag:s6] =	ssyncadd.s32 $0xFFFFFF88  }
0x4f: {  	[spmem:s3] =	stream.indirect.scatter.add.f32 [tilespmem:s21], [sflag:$0xC], $0x80, s25, s28, $0xb8;
	[tilespmem:$0x1F700] =	vst v63  }
0x50: {  	_ =	swait.ge [sflag:s8], $0x3C00  }
0x51: {  	[sflag:s8] =	ssyncset.done $0x0  }
0x52: {  	[sflag:s8] =	ssyncadd.s32 $0xFFFFC400  }
0x53: {  	_ =	swait.ge [sflag:s18], $0x3C00  }
0x54: {  	[sflag:s18] =	ssyncset.done $0x0  }
0x55: {  	[sflag:s18] =	ssyncadd.s32 $0xFFFFC400  }
0x56: {  	s15 =	sadd.s32 $0x2D, s16;
	s16 =	smov.u32 s20;
	_ =	swait.ge [sflag:s19], $0x3C00  }
0x57: {  	s17 =	simm.s32 $0x1A;
	s21 =	simm.s32 $0x14000;
	[sflag:s19] =	ssyncset.done $0x0  }
.LBB2_2:
0x58: {  	s20 =	sadd.s32 s15, s14;
	[sflag:s19] =	ssyncadd.s32 $0xFFFFC400;
	s16 =	sadd.s32 $0x2D, s16  }
0x59: {  	[tilespmem:s21], [sflag:$0x1] =	stream.linear.gather [hbm4b:s20+s4], $0x78, $0x38;
	[tilespmem:$0x1F700] =	vst v63  }
0x5a: {  	p0 =	sne.s32 s17, $0x1;
	s17 =	sadd.s32 $0xFFFFFFFF, s17;
	s20 =	sadd.s32 s15, s13  }
0x5b: {  	[tilespmem:s31], [sflag:$0x2] =	stream.linear.gather [hbm4b:s20+s4], $0x78, $0x38;
	[tilespmem:$0x1F700] =	vst v63  }
0x5c: {  	s20 =	sadd.s32 s15, s12  }
0x5d: {  	[tilespmem:s22], [sflag:$0x3] =	stream.linear.gather [hbm4b:s20+s4], $0x78, $0x38;
	[tilespmem:$0x1F700] =	vst v63  }
0x5e: {  	s20 =	sadd.s32 s16, s14  }
0x5f: {  	[tilespmem:s23], [sflag:$0x4] =	stream.linear.gather [hbm4b:s20+s4], $0x78, $0x38;
	[tilespmem:$0x1F700] =	vst v63  }
0x60: {  	s20 =	sadd.s32 s16, s13  }
0x61: {  	[tilespmem:s24], [sflag:$0x5] =	stream.linear.gather [hbm4b:s20+s4], $0x78, $0x38;
	[tilespmem:$0x1F700] =	vst v63  }
0x62: {  	s20 =	sadd.s32 s16, s12  }
0x63: {  	[tilespmem:s25], [sflag:$0x6] =	stream.linear.gather [hbm4b:s20+s4], $0x78, $0x38;
	[tilespmem:$0x1F700] =	vst v63  }
0x64: {  	_ =	swait.ge [sflag:s30], $0x78  }
0x65: {  	[sflag:s30] =	ssyncset.done $0x0  }
0x66: {  	[sflag:s30] =	ssyncadd.s32 $0xFFFFFF88  }
0x67: {  	[tilespmem:s29], [sflag:$0x7] =	stream.indirect.gather [hbm4b:s5+s28], $0x80, s21, s28, $0xb8;
	[tilespmem:$0x1F700] =	vst v63  }
0x68: {  	_ =	swait.ge [sflag:s0], $0x78  }
0x69: {  	[sflag:s0] =	ssyncset.done $0x0  }
0x6a: {  	[sflag:s0] =	ssyncadd.s32 $0xFFFFFF88  }
0x6b: {  	[tilespmem:s1], [sflag:$0x8] =	stream.indirect.gather [hbm4b:s5+s28], $0x80, s31, s28, $0xb8;
	[tilespmem:$0x1F700] =	vst v63  }
0x6c: {  	_ =	swait.ge [sflag:s9], $0x78  }
0x6d: {  	[sflag:s9] =	ssyncset.done $0x0  }
0x6e: {  	s20 =	simm.s32 $0x1BB00;
	[sflag:s9] =	ssyncadd.s32 $0xFFFFFF88  }
0x6f: {  	[tilespmem:s20], [sflag:$0x9] =	stream.indirect.gather [hbm4b:s5+s28], $0x80, s22, s28, $0xb8;
	[tilespmem:$0x1F700] =	vst v63  }
0x70: {  	_ =	swait.ge [sflag:s11], $0x3C00  }
0x71: {  	[sflag:s11] =	ssyncset.done $0x0  }
0x72: {  	[sflag:s11] =	ssyncadd.s32 $0xFFFFC400  }
0x73: {  	_ =	swait.ge [sflag:s10], $0x78  }
0x74: {  	[sflag:s10] =	ssyncset.done $0x0  }
0x75: {  	[sflag:s10] =	ssyncadd.s32 $0xFFFFFF88  }
0x76: {  	[spmem:s3] =	stream.indirect.scatter.add.f32 [tilespmem:s29], [sflag:$0xA], $0x80, s23, s28, $0xb8;
	[tilespmem:$0x1F700] =	vst v63  }
0x77: {  	_ =	swait.ge [sflag:s7], $0x3C00  }
0x78: {  	[sflag:s7] =	ssyncset.done $0x0  }
0x79: {  	[sflag:s7] =	ssyncadd.s32 $0xFFFFC400  }
0x7a: {  	_ =	swait.ge [sflag:s2], $0x78  }
0x7b: {  	[sflag:s2] =	ssyncset.done $0x0  }
0x7c: {  	[sflag:s2] =	ssyncadd.s32 $0xFFFFFF88  }
0x7d: {  	[spmem:s3] =	stream.indirect.scatter.add.f32 [tilespmem:s1], [sflag:$0xB], $0x80, s24, s28, $0xb8;
	[tilespmem:$0x1F700] =	vst v63  }
0x7e: {  	_ =	swait.ge [sflag:s26], $0x3C00  }
0x7f: {  	[sflag:s26] =	ssyncset.done $0x0  }
0x80: {  	[sflag:s26] =	ssyncadd.s32 $0xFFFFC400  }
0x81: {  	_ =	swait.ge [sflag:s6], $0x78  }
0x82: {  	[sflag:s6] =	ssyncset.done $0x0  }
0x83: {  	[sflag:s6] =	ssyncadd.s32 $0xFFFFFF88  }
0x84: {  	[spmem:s3] =	stream.indirect.scatter.add.f32 [tilespmem:s20], [sflag:$0xC], $0x80, s25, s28, $0xb8;
	[tilespmem:$0x1F700] =	vst v63  }
0x85: {  	_ =	swait.ge [sflag:s8], $0x3C00  }
0x86: {  	[sflag:s8] =	ssyncset.done $0x0  }
0x87: {  	[sflag:s8] =	ssyncadd.s32 $0xFFFFC400  }
.Ltmp0:
0x88: {  	_ =	swait.ge [sflag:s18], $0x3C00;
	(pc) =	sbr.rel @p0 .LBB2_2-.Ltmp0, $4  }
0x89: {  	[sflag:s18] =	ssyncset.done $0x0  }
0x8a: {  	[sflag:s18] =	ssyncadd.s32 $0xFFFFC400  }
0x8b: {  	_ =	swait.ge [sflag:s19], $0x3C00  }
0x8c: {  	s15 =	sadd.s32 $0x2D, s15;
	[sflag:s19] =	ssyncset.done $0x0  }
0x8d: {  	s17 =	sadd.s32 s15, s14;
	[sflag:s19] =	ssyncadd.s32 $0xFFFFC400  }
0x8e: {  	[tilespmem:s21], [sflag:$0x1] =	stream.linear.gather [hbm4b:s17+s4], $0x78, $0x38;
	[tilespmem:$0x1F700] =	vst v63  }
0x8f: {  	s20 =	sadd.s32 s15, s13  }
0x90: {  	[tilespmem:s31], [sflag:$0x2] =	stream.linear.gather [hbm4b:s20+s4], $0x78, $0x38;
	[tilespmem:$0x1F700] =	vst v63  }
0x91: {  	s16 =	sadd.s32 $0x2D, s16;
	s17 =	sadd.s32 s15, s12  }
0x92: {  	[tilespmem:s22], [sflag:$0x3] =	stream.linear.gather [hbm4b:s17+s4], $0x78, $0x38;
	[tilespmem:$0x1F700] =	vst v63  }
0x93: {  	s20 =	sadd.s32 s16, s14  }
0x94: {  	[tilespmem:s23], [sflag:$0x4] =	stream.linear.gather [hbm4b:s20+s4], $0x78, $0x38;
	[tilespmem:$0x1F700] =	vst v63  }
0x95: {  	s17 =	sadd.s32 s16, s13  }
0x96: {  	[tilespmem:s24], [sflag:$0x5] =	stream.linear.gather [hbm4b:s17+s4], $0x78, $0x38;
	[tilespmem:$0x1F700] =	vst v63  }
0x97: {  	s20 =	sadd.s32 s16, s12  }
0x98: {  	[tilespmem:s25], [sflag:$0x6] =	stream.linear.gather [hbm4b:s20+s4], $0x78, $0x38;
	[tilespmem:$0x1F700] =	vst v63  }
0x99: {  	_ =	swait.ge [sflag:s30], $0x78  }
0x9a: {  	[sflag:s30] =	ssyncset.done $0x0  }
0x9b: {  	[sflag:s30] =	ssyncadd.s32 $0xFFFFFF88  }
0x9c: {  	[tilespmem:s29], [sflag:$0x7] =	stream.indirect.gather [hbm4b:s5+s28], $0x80, s21, s28, $0xb8;
	[tilespmem:$0x1F700] =	vst v63  }
0x9d: {  	_ =	swait.ge [sflag:s0], $0x78  }
0x9e: {  	[sflag:s0] =	ssyncset.done $0x0  }
0x9f: {  	[sflag:s0] =	ssyncadd.s32 $0xFFFFFF88  }
0xa0: {  	[tilespmem:s1], [sflag:$0x8] =	stream.indirect.gather [hbm4b:s5+s28], $0x80, s31, s28, $0xb8;
	[tilespmem:$0x1F700] =	vst v63  }
0xa1: {  	_ =	swait.ge [sflag:s9], $0x78  }
0xa2: {  	[sflag:s9] =	ssyncset.done $0x0  }
0xa3: {  	s21 =	simm.s32 $0x1BB00;
	[sflag:s9] =	ssyncadd.s32 $0xFFFFFF88  }
0xa4: {  	[tilespmem:s21], [sflag:$0x9] =	stream.indirect.gather [hbm4b:s5+s28], $0x80, s22, s28, $0xb8;
	[tilespmem:$0x1F700] =	vst v63  }
0xa5: {  	_ =	swait.ge [sflag:s11], $0x3C00  }
0xa6: {  	[sflag:s11] =	ssyncset.done $0x0  }
0xa7: {  	[sflag:s11] =	ssyncadd.s32 $0xFFFFC400  }
0xa8: {  	_ =	swait.ge [sflag:s10], $0x78  }
0xa9: {  	[sflag:s10] =	ssyncset.done $0x0  }
0xaa: {  	[sflag:s10] =	ssyncadd.s32 $0xFFFFFF88  }
0xab: {  	[spmem:s3] =	stream.indirect.scatter.add.f32 [tilespmem:s29], [sflag:$0xA], $0x80, s23, s28, $0xb8;
	[tilespmem:$0x1F700] =	vst v63  }
0xac: {  	_ =	swait.ge [sflag:s7], $0x3C00  }
0xad: {  	[sflag:s7] =	ssyncset.done $0x0  }
0xae: {  	[sflag:s7] =	ssyncadd.s32 $0xFFFFC400  }
0xaf: {  	_ =	swait.ge [sflag:s2], $0x78  }
0xb0: {  	[sflag:s2] =	ssyncset.done $0x0  }
0xb1: {  	[sflag:s2] =	ssyncadd.s32 $0xFFFFFF88  }
0xb2: {  	[spmem:s3] =	stream.indirect.scatter.add.f32 [tilespmem:s1], [sflag:$0xB], $0x80, s24, s28, $0xb8;
	[tilespmem:$0x1F700] =	vst v63  }
0xb3: {  	_ =	swait.ge [sflag:s26], $0x3C00  }
0xb4: {  	[sflag:s26] =	ssyncset.done $0x0  }
0xb5: {  	[sflag:s26] =	ssyncadd.s32 $0xFFFFC400  }
0xb6: {  	_ =	swait.ge [sflag:s6], $0x78  }
0xb7: {  	[sflag:s6] =	ssyncset.done $0x0  }
0xb8: {  	[sflag:s6] =	ssyncadd.s32 $0xFFFFFF88  }
0xb9: {  	[spmem:s3] =	stream.indirect.scatter.add.f32 [tilespmem:s21], [sflag:$0xC], $0x80, s25, s28, $0xb8;
	[tilespmem:$0x1F700] =	vst v63  }
0xba: {  	_ =	swait.ge [sflag:s8], $0x3C00  }
0xbb: {  	[sflag:s8] =	ssyncset.done $0x0  }
0xbc: {  	[sflag:s8] =	ssyncadd.s32 $0xFFFFC400  }
0xbd: {  	_ =	swait.ge [sflag:s18], $0x3C00  }
0xbe: {  	[sflag:s18] =	ssyncset.done $0x0  }
0xbf: {  	[sflag:s18] =	ssyncadd.s32 $0xFFFFC400  }
0xc0: {  	_ =	swait.ge [sflag:s19], $0x3C00  }
0xc1: {  	[sflag:s19] =	ssyncset.done $0x0  }
0xc2: {  	[sflag:s19] =	ssyncadd.s32 $0xFFFFC400  }
0xc3: {  	[bflag:$0x0] =	sbarrier.arrive $0xFFFF  }
0xc4: {  	s7 =	rddreg [dreg:$0x8]  }
0xc5: {  	s11 =	rddreg [dreg:$0x9]  }
0xc6: {  	s20 =	simm.s32 $0xD;
	s17 =	rddreg [dreg:$0xd]  }
0xc7: {  	[hbm:s11], [sflag:s7] =	dma.local [spmem:s17], $0x2800  }
0xc8: {  	_ =	swait.ge [sflag:s20], $0x2800  }
0xc9: {  	[sflag:s20] =	ssyncset.done $0x0  }
0xca: {  	s21 =	rddreg [dreg:$0x7];
	[sflag:s20] =	ssyncadd.s32 $0xFFFFD800  }
0xcb: {  	[spmem:s17], [sflag:s7] =	dma.local [hbm:s21], $0x2800  }
0xcc: {  	_ =	swait.ge [sflag:s20], $0x2800  }
0xcd: {  	s15 =	simm.s32 $0x0;
	[sflag:s20] =	ssyncset.done $0x0;
	s31 =	rddreg [dreg:$0xc]  }
0xce: {  	s16 =	simm.s32 $0x200;
	[sflag:s20] =	ssyncadd.s32 $0xFFFFD800;
	s20 =	rddreg [dreg:$0x5]  }
.LBB2_4:
0xcf: {  	p0 =	sne.s32 s16, $0xEE00;
	[tilespmem:s15+$0x14370] =	vst v0  }
0xd0: {  	[tilespmem:s15+$0x14300] =	vst v0  }
0xd1: {  	[tilespmem:s15+$0x14310] =	vst v0  }
.Ltmp1:
0xd2: {  	[tilespmem:s15+$0x14320] =	vst v0;
	(pc) =	sbr.rel @p0 .LBB2_4-.Ltmp1, $4  }
0xd3: {  	[tilespmem:s15+$0x14330] =	vst v0  }
0xd4: {  	[tilespmem:s15+$0x14340] =	vst v0  }
0xd5: {  	[tilespmem:s15+$0x14350] =	vst v0  }
0xd6: {  	[tilespmem:s15+$0x14360] =	vst v0;
	s15 =	sshra.s32 s16, $0x2;
	s16 =	sadd.s32 $0x200, s16  }
0xd7: {  	[tilespmem:s15+$0x14370] =	vst v0  }
0xd8: {  	[tilespmem:s15+$0x14300] =	vst v0  }
0xd9: {  	[tilespmem:s15+$0x14310] =	vst v0  }
0xda: {  	[tilespmem:s15+$0x14320] =	vst v0  }
0xdb: {  	[tilespmem:s15+$0x14330] =	vst v0  }
0xdc: {  	[tilespmem:s15+$0x14340] =	vst v0  }
0xdd: {  	[tilespmem:s15+$0x14350] =	vst v0  }
0xde: {  	[tilespmem:s15+$0x14360] =	vst v0  }
0xdf: {  	s16 =	sadd.s32 $0x0, s20;
	[bflag:$0x0] =	sbarrier.arrive $0xFFFF  }
0xe0: {  	[tilespmem:s23], [sflag:$0x4] =	stream.linear.gather [hbm4b:s16+s4], $0x78, $0x38;
	[tilespmem:$0x1F700] =	vst v63  }
0xe1: {  	s17 =	sadd.s32 $0x0, s31;
	s21 =	rddreg [dreg:$0x4]  }
0xe2: {  	[tilespmem:s24], [sflag:$0x5] =	stream.linear.gather [hbm4b:s17+s4], $0x78, $0x38;
	[tilespmem:$0x1F700] =	vst v63  }
0xe3: {  	s15 =	sadd.s32 $0x0, s21  }
0xe4: {  	[tilespmem:s25], [sflag:$0x6] =	stream.linear.gather [hbm4b:s15+s4], $0x78, $0x38;
	[tilespmem:$0x1F700] =	vst v63  }
0xe5: {  	_ =	swait.ge [sflag:s10], $0x78  }
0xe6: {  	[sflag:s10] =	ssyncset.done $0x0  }
0xe7: {  	[sflag:s10] =	ssyncadd.s32 $0xFFFFFF88  }
0xe8: {  	[spmem:s3] =	stream.indirect.scatter.add.f32 [tilespmem:s29], [sflag:$0xA], $0x80, s23, s28, $0xb8;
	[tilespmem:$0x1F700] =	vst v63  }
0xe9: {  	_ =	swait.ge [sflag:s2], $0x78  }
0xea: {  	[sflag:s2] =	ssyncset.done $0x0  }
0xeb: {  	[sflag:s2] =	ssyncadd.s32 $0xFFFFFF88  }
0xec: {  	[spmem:s3] =	stream.indirect.scatter.add.f32 [tilespmem:s29], [sflag:$0xB], $0x80, s24, s28, $0xb8;
	[tilespmem:$0x1F700] =	vst v63  }
0xed: {  	_ =	swait.ge [sflag:s6], $0x78  }
0xee: {  	[sflag:s6] =	ssyncset.done $0x0  }
0xef: {  	[sflag:s6] =	ssyncadd.s32 $0xFFFFFF88  }
0xf0: {  	[spmem:s3] =	stream.indirect.scatter.add.f32 [tilespmem:s29], [sflag:$0xC], $0x80, s25, s28, $0xb8;
	[tilespmem:$0x1F700] =	vst v63  }
0xf1: {  	_ =	swait.ge [sflag:s8], $0x3C00  }
0xf2: {  	[sflag:s8] =	ssyncset.done $0x0  }
0xf3: {  	[sflag:s8] =	ssyncadd.s32 $0xFFFFC400  }
0xf4: {  	_ =	swait.ge [sflag:s18], $0x3C00  }
0xf5: {  	[sflag:s18] =	ssyncset.done $0x0  }
0xf6: {  	[sflag:s18] =	ssyncadd.s32 $0xFFFFC400  }
0xf7: {  	s16 =	simm.s32 $0x5A;
	_ =	swait.ge [sflag:s19], $0x3C00  }
0xf8: {  	s15 =	simm.s32 $0x2D;
	[sflag:s19] =	ssyncset.done $0x0;
	s0 =	rddreg [dreg:$0xe]  }
.LBB2_6:
0xf9: {  	s17 =	sadd.s32 s15, s20;
	[sflag:s19] =	ssyncadd.s32 $0xFFFFC400  }
0xfa: {  	[tilespmem:s23], [sflag:$0x4] =	stream.linear.gather [hbm4b:s17+s4], $0x78, $0x38;
	[tilespmem:$0x1F700] =	vst v63  }
0xfb: {  	s7 =	sadd.s32 s15, s31;
	s17 =	rddreg [dreg:$0x4]  }
0xfc: {  	[tilespmem:s24], [sflag:$0x5] =	stream.linear.gather [hbm4b:s7+s4], $0x78, $0x38;
	[tilespmem:$0x1F700] =	vst v63  }
0xfd: {  	s11 =	sadd.s32 s15, s17  }
0xfe: {  	[tilespmem:s25], [sflag:$0x6] =	stream.linear.gather [hbm4b:s11+s4], $0x78, $0x38;
	[tilespmem:$0x1F700] =	vst v63  }
0xff: {  	s20 =	rddreg [dreg:$0x5];
	_ =	swait.ge [sflag:s10], $0x78  }
0x100: {  	[sflag:s10] =	ssyncset.done $0x0  }
0x101: {  	[sflag:s10] =	ssyncadd.s32 $0xFFFFFF88  }
0x102: {  	[spmem:s3] =	stream.indirect.scatter.add.f32 [tilespmem:s29], [sflag:$0xA], $0x80, s23, s28, $0xb8;
	[tilespmem:$0x1F700] =	vst v63  }
0x103: {  	_ =	swait.ge [sflag:s2], $0x78  }
0x104: {  	[sflag:s2] =	ssyncset.done $0x0  }
0x105: {  	[sflag:s2] =	ssyncadd.s32 $0xFFFFFF88  }
0x106: {  	[spmem:s3] =	stream.indirect.scatter.add.f32 [tilespmem:s29], [sflag:$0xB], $0x80, s24, s28, $0xb8;
	[tilespmem:$0x1F700] =	vst v63  }
0x107: {  	_ =	swait.ge [sflag:s6], $0x78  }
0x108: {  	[sflag:s6] =	ssyncset.done $0x0  }
0x109: {  	[sflag:s6] =	ssyncadd.s32 $0xFFFFFF88  }
0x10a: {  	[spmem:s3] =	stream.indirect.scatter.add.f32 [tilespmem:s29], [sflag:$0xC], $0x80, s25, s28, $0xb8;
	[tilespmem:$0x1F700] =	vst v63  }
0x10b: {  	_ =	swait.ge [sflag:s8], $0x3C00  }
0x10c: {  	[sflag:s8] =	ssyncset.done $0x0  }
0x10d: {  	p0 =	sne.s32 s16, $0x249;
	[sflag:s8] =	ssyncadd.s32 $0xFFFFC400  }
.Ltmp2:
0x10e: {  	_ =	swait.ge [sflag:s18], $0x3C00;
	(pc) =	sbr.rel @p0 .LBB2_6-.Ltmp2, $4  }
0x10f: {  	[sflag:s18] =	ssyncset.done $0x0  }
0x110: {  	[sflag:s18] =	ssyncadd.s32 $0xFFFFC400  }
0x111: {  	s1 =	smov.u32 s16;
	s21 =	sadd.s32 $0x2D, s16;
	_ =	swait.ge [sflag:s19], $0x3C00  }
0x112: {  	s16 =	smov.u32 s21;
	s15 =	smov.u32 s1;
	[sflag:s19] =	ssyncset.done $0x0  }
0x113: {  	s16 =	sadd.s32 s15, s20;
	[sflag:s19] =	ssyncadd.s32 $0xFFFFC400  }
0x114: {  	[tilespmem:s23], [sflag:$0x4] =	stream.linear.gather [hbm4b:s16+s4], $0x78, $0x38;
	[tilespmem:$0x1F700] =	vst v63  }
0x115: {  	s11 =	sadd.s32 s15, s31  }
0x116: {  	[tilespmem:s24], [sflag:$0x5] =	stream.linear.gather [hbm4b:s11+s4], $0x78, $0x38;
	[tilespmem:$0x1F700] =	vst v63  }
0x117: {  	s20 =	sadd.s32 s15, s17  }
0x118: {  	[tilespmem:s25], [sflag:$0x6] =	stream.linear.gather [hbm4b:s20+s4], $0x78, $0x38;
	[tilespmem:$0x1F700] =	vst v63  }
0x119: {  	_ =	swait.ge [sflag:s10], $0x78  }
0x11a: {  	[sflag:s10] =	ssyncset.done $0x0  }
0x11b: {  	[sflag:s10] =	ssyncadd.s32 $0xFFFFFF88  }
0x11c: {  	[spmem:s3] =	stream.indirect.scatter.add.f32 [tilespmem:s29], [sflag:$0xA], $0x80, s23, s28, $0xb8;
	[tilespmem:$0x1F700] =	vst v63  }
0x11d: {  	_ =	swait.ge [sflag:s2], $0x78  }
0x11e: {  	[sflag:s2] =	ssyncset.done $0x0  }
0x11f: {  	[sflag:s2] =	ssyncadd.s32 $0xFFFFFF88  }
0x120: {  	[spmem:s3] =	stream.indirect.scatter.add.f32 [tilespmem:s29], [sflag:$0xB], $0x80, s24, s28, $0xb8;
	[tilespmem:$0x1F700] =	vst v63  }
0x121: {  	_ =	swait.ge [sflag:s6], $0x78  }
0x122: {  	[sflag:s6] =	ssyncset.done $0x0  }
0x123: {  	[sflag:s6] =	ssyncadd.s32 $0xFFFFFF88  }
0x124: {  	[spmem:s3] =	stream.indirect.scatter.add.f32 [tilespmem:s29], [sflag:$0xC], $0x80, s25, s28, $0xb8;
	[tilespmem:$0x1F700] =	vst v63  }
0x125: {  	_ =	swait.ge [sflag:s8], $0x3C00  }
0x126: {  	[sflag:s8] =	ssyncset.done $0x0  }
0x127: {  	[sflag:s8] =	ssyncadd.s32 $0xFFFFC400  }
0x128: {  	_ =	swait.ge [sflag:s18], $0x3C00  }
0x129: {  	[sflag:s18] =	ssyncset.done $0x0  }
0x12a: {  	[sflag:s18] =	ssyncadd.s32 $0xFFFFC400  }
0x12b: {  	_ =	swait.ge [sflag:s19], $0x3C00  }
0x12c: {  	[sflag:s19] =	ssyncset.done $0x0  }
0x12d: {  	[sflag:s19] =	ssyncadd.s32 $0xFFFFC400  }
0x12e: {  	[bflag:$0x0] =	sbarrier.arrive $0xFFFF  }
0x12f: {  	s16 =	rddreg [dreg:$0x8]  }
0x130: {  	s21 =	rddreg [dreg:$0xa]  }
0x131: {  	s1 =	simm.s32 $0xD;
	s7 =	rddreg [dreg:$0xd]  }
0x132: {  	[hbm:s21], [sflag:s16] =	dma.local [spmem:s7], $0x2800  }
0x133: {  	_ =	swait.ge [sflag:s1], $0x2800  }
0x134: {  	s0 =	sadd.s32 $0x1, s0;
	s31 =	rddreg [dreg:$0xb]  }
0x135: {  	p0 =	sne.s32 s0, s31  }
.Ltmp3:
0x136: {  	_ = 	snop;
	(pc) =	sbr.rel @p0 .LBB2_1-.Ltmp3, $3  }
0x137: {  	_ =	sdelay $0x1  }
0x138: {  	s15 =	simm.s32 $0xD;
	[sflag:s1] =	ssyncset.done $0x0  }
0x139: {  	s11 =	rddreg [dreg:$0x7];
	[sflag:s15] =	ssyncadd.s32 $0xFFFFD800  }
0x13a: {  	_ =	sfence.sel $0x180000  }
0x13b: {  	[bflag:$0x0] =	sbarrier.arrive $0xFFFF  }
0x13c: {  	_ =	strace $0x90000047  }
0x13d: {  	s0 =	stileid.u32;
	[bflag:$0x2] =	sbarrier.arrive $0xFFFF  }
0x13e: {  	p0 =	sne.s32 s0, $0x0;
	s0 =	rddreg [dreg:$0x3]  }
0x13f: {  	s0 =	sadd.s32 @!p0 $0x100000, s0  }
0x140: {  	[sflag:s0] =	ssyncadd.tile.s32 @!p0 $0x1;
	_ =	shalt  }
.Lfunc_end2:
_tile_overlayer_lowered:
.L_overlay_start_2:
0x141: {  	(tag) =	ssettag $0x2  }
0x142: {  	s0 =	rddreg [dreg:$0x0];
	s2 =	stileid.u32  }
0x143: {  	s1 =	rddreg [dreg:$0x1];
	p0 =	sne.s32 s2, $0x0  }
0x144: {  	s3 =	rddreg [dreg:$0x2];
	[bflag:$0x3] =	sbarrier.arrive $0xFFFF;
	s2 =	simm.s32 @!p0 $0x1C0D  }
0x145: {  	[timem:s3], [sflag:s2] =	dma.local @!p0 [hbm:s0], s1  }
0x146: {  	s0 =	simm.s32 @!p0 $0xD  }
0x147: {  	_ =	swait.ge @!p0 [sflag:s0], s1  }
0x148: {  	s1 =	ssub.s32 @!p0 $0x0, s1;
	[sflag:s0] =	ssyncset.done @!p0 $0x0  }
0x149: {  	[sflag:s0] =	ssyncadd.s32 @!p0 s1  }
0x14a: {  	[bflag:$0x3] =	sbarrier.arrive $0xFFFF  }
0x14b: {  	_ =	shalt  }

</sc_bundles>
